<compile_context>
chip_gen: v7x
topology: tpu7x:2x2x1
jax: 0.10.2.dev20260603
libtpu: 0.0.44.dev20260713+nightly
codegen_flags: <defaults>
</compile_context>

<pallas_src>
import functools
import math

import jax
import jax.numpy as jnp
from jax import lax
from jax.experimental import pallas as pl
from jax.experimental.pallas import tpu as pltpu
from jax.experimental.pallas import tpu_sc as plsc

EMBED = 64
SCALE = math.sqrt(EMBED)

NC = 2
NS = 16
NW = NC * NS
LANES = 16

A_BLK = 128
NBUF = 4
PREF = 3

PACK_COLS = 4096


def _pack_table(table_t):
    v = table_t.shape[1]
    grid = pl.cdiv(v, PACK_COLS)

    def body(t_ref, o_ref):
        o_ref[:, 0:EMBED] = t_ref[...].T

    return pl.pallas_call(
        body,
        grid=(grid,),
        in_specs=[pl.BlockSpec((EMBED, PACK_COLS), lambda i: (0, i))],
        out_specs=pl.BlockSpec((PACK_COLS, 2 * EMBED), lambda i: (i, 0)),
        out_shape=jax.ShapeDtypeStruct((v, 2 * EMBED), jnp.float32),
    )(table_t)


def _build_lookup(b0, b1):
    assert b0 == NW * A_BLK
    n_chunk = b1
    assert n_chunk % NBUF == 0
    mesh = plsc.VectorSubcoreMesh(core_axis_name="c", subcore_axis_name="s")

    @functools.partial(
        pl.kernel,
        mesh=mesh,
        out_type=jax.ShapeDtypeStruct(
            (b1, EMBED // 8, NW, 8, A_BLK), jnp.float32
        ),
        compiler_params=pltpu.CompilerParams(
            use_tc_tiling_on_sc=False, needs_layout_passes=False
        ),
        scratch_types=(
            [pltpu.VMEM((n_chunk, A_BLK), jnp.int32)]
            + [pltpu.VMEM((A_BLK, 2 * EMBED), jnp.float32) for _ in range(NBUF)]
            + [pltpu.VMEM((8, 8, A_BLK + 1), jnp.float32) for _ in range(NBUF)]
            + [pltpu.SemaphoreType.DMA for _ in range(2 * NBUF)]
        ),
    )
    def lookup(idx_hbm, table_hbm, out_hbm, idx_v, *scratch):
        gbufs = scratch[:NBUF]
        tbufs = scratch[NBUF : 2 * NBUF]
        gsem = scratch[2 * NBUF : 3 * NBUF]
        ssem = scratch[3 * NBUF :]

        wid = lax.axis_index("s") * NC + lax.axis_index("c")
        a0 = wid * A_BLK
        pltpu.sync_copy(idx_hbm.at[:, pl.ds(a0, A_BLK)], idx_v)

        iota = lax.iota(jnp.int32, LANES)
        cvec = [iota + LANES * j for j in range(EMBED // LANES)]
        tr_idx = [lax.shift_right_logical(cv, 3) for cv in cvec]
        r_idx = [lax.bitwise_and(cv, 7) for cv in cvec]

        def gather_start(c, b):
            pltpu.async_copy(table_hbm.at[idx_v.at[c]], gbufs[b], gsem[b])

        def gather_wait(c, b):
            pltpu.make_async_copy(
                table_hbm.at[idx_v.at[c]], gbufs[b], gsem[b]
            ).wait()

        def out_slice(c):
            return out_hbm.at[c, :, wid]

        def tbuf_slice(b):
            return tbufs[b].at[:, :, pl.ds(0, A_BLK)]

        def store_start(c, b):
            pltpu.async_copy(tbuf_slice(b), out_slice(c), ssem[b])

        def store_wait(c, b):
            pltpu.make_async_copy(tbuf_slice(b), out_slice(c), ssem[b]).wait()

        for c in range(PREF):
            gather_start(c, c)

        def outer(i, carry):
            for b in range(NBUF):
                c = i * NBUF + b
                gather_wait(c, b)

                gbuf, tbuf = gbufs[b], tbufs[b]

                @plsc.parallel_loop(0, A_BLK, unroll=4)
                def _transpose_scale(i2):
                    col = jnp.full((LANES,), i2, jnp.int32)
                    for j in range(EMBED // LANES):
                        v = gbuf[i2, pl.ds(j * LANES, LANES)] * SCALE
                        plsc.store_scatter(
                            tbuf, [tr_idx[j], r_idx[j], col], v
                        )

                store_start(c, b)

                bt = (b + PREF) % NBUF
                ct = c + PREF

                @pl.when(ct < n_chunk)
                def _prefetch():
                    @pl.when(c >= NBUF - PREF)
                    def _drain():
                        store_wait(ct - NBUF, bt)

                    gather_start(ct, bt)

            return carry

        lax.fori_loop(0, n_chunk // NBUF, outer, 0)

        for b in range(NBUF):
            store_wait(n_chunk - NBUF + b, b)

    return lookup


def kernel(inputs, table):
    b0, b1 = inputs.shape
    idx_t = jnp.transpose(inputs).astype(jnp.int32)
    packed = _pack_table(jnp.transpose(table))
    out5 = _build_lookup(b0, b1)(idx_t, packed)
    return out5.transpose(2, 4, 0, 1, 3).reshape(b0, b1, EMBED)

# --- scband reference (transcript-rebuilt; emitter-appended) ---
"""Pipeline reference for scband-embeddings-45466523795915 (READ-ONLY COPY).

The authoritative reference and input builder live on the scoring server;
editing this copy changes nothing except your own understanding.
"""

import jax, jax.numpy as jnp
import numpy as np
import math

EMBED_SIZE = 64
VOCAB_SIZE = 1000000

def setup_inputs(seed: int = 0) -> dict:
    key = jax.random.key(seed)
    k1, k2 = jax.random.split(key)
    inputs = jax.random.randint(k1, (4096, 200), 0, VOCAB_SIZE, dtype=jnp.int64 if jax.config.jax_enable_x64 else jnp.int32)
    table = jax.random.normal(k2, (VOCAB_SIZE, EMBED_SIZE), dtype=jnp.float32)
    return {"inputs": inputs, "table": table}

def reference(inputs, table):
    # Embedding lookup followed by scaling by sqrt(embed_size)
    emb = jnp.take(table, inputs, axis=0)
    return emb * math.sqrt(EMBED_SIZE)

if __name__ == "__main__":
    import jax
    _d = setup_inputs()
    print(jax.jit(kernel)(*tuple(_d.values())))

</pallas_src>

<mosaic_0001>
#map = affine_map<(d0, d1) -> (0, 0)>
#map1 = affine_map<(d0, d1) -> (0, 0, 0, 0, 0)>
module attributes {stable_mosaic.version = 14 : i64} {
  func.func @lookup(%arg0: i32, %arg1: i32, %arg2: memref<200x4096xi32, #tpu.memory_space<hbm>>, %arg3: memref<1000000x128xf32, #tpu.memory_space<hbm>>, %arg4: memref<200x8x32x8x128xf32, #tpu.memory_space<hbm>>, %arg5: memref<200x128xi32, #tpu.memory_space<vmem>>, %arg6: memref<128x128xf32, #tpu.memory_space<vmem>>, %arg7: memref<128x128xf32, #tpu.memory_space<vmem>>, %arg8: memref<128x128xf32, #tpu.memory_space<vmem>>, %arg9: memref<128x128xf32, #tpu.memory_space<vmem>>, %arg10: memref<8x8x129xf32, #tpu.memory_space<vmem>>, %arg11: memref<8x8x129xf32, #tpu.memory_space<vmem>>, %arg12: memref<8x8x129xf32, #tpu.memory_space<vmem>>, %arg13: memref<8x8x129xf32, #tpu.memory_space<vmem>>, %arg14: memref<!tpu.dma_semaphore, #tpu.memory_space<semaphore_mem>>, %arg15: memref<!tpu.dma_semaphore, #tpu.memory_space<semaphore_mem>>, %arg16: memref<!tpu.dma_semaphore, #tpu.memory_space<semaphore_mem>>, %arg17: memref<!tpu.dma_semaphore, #tpu.memory_space<semaphore_mem>>, %arg18: memref<!tpu.dma_semaphore, #tpu.memory_space<semaphore_mem>>, %arg19: memref<!tpu.dma_semaphore, #tpu.memory_space<semaphore_mem>>, %arg20: memref<!tpu.dma_semaphore, #tpu.memory_space<semaphore_mem>>, %arg21: memref<!tpu.dma_semaphore, #tpu.memory_space<semaphore_mem>>) attributes {dimension_semantics = [#tpu.dimension_semantics<core_parallel>, #tpu.dimension_semantics<subcore_parallel>], iteration_bounds = array<i64: 2, 16>, scalar_prefetch = 0 : i64, scratch_operands = 17 : i64, tpu.core_type = #tpu.core_type<sc_vector_subcore>, window_params = [{transform_indices = #map}, {transform_indices = #map}, {transform_indices = #map1}]} {
    %mul3A = arith.constant 2 : i32
    %mul3A_0 = arith.muli %arg1, %mul3A : i32
    %add3A = arith.addi %mul3A_0, %arg0 : i32
    %mul3A_1 = arith.constant 128 : i32
    %mul3A_2 = arith.muli %add3A, %mul3A_1 : i32
    "tpu.region"() ({
      %run_scoped3A = tpu.sem_alloc : memref<!tpu.dma_semaphore, #tpu.memory_space<semaphore_mem>>
      %dma_start3A_137 = arith.constant 0 : i32
      %dma_start3A_138 = tpu.memref_slice %arg2[%dma_start3A_137, %mul3A_2] : memref<200x4096xi32, #tpu.memory_space<hbm>> -> memref<200x128xi32, #tpu.memory_space<hbm>>
      %dma_start3A_139 = arith.constant 0 : i32
      %dma_start3A_140 = tpu.memref_slice %arg2[%dma_start3A_139, %mul3A_2] : memref<200x4096xi32, #tpu.memory_space<hbm>> -> memref<200x128xi32, #tpu.memory_space<hbm>>
      tpu.enqueue_dma source(%dma_start3A_140 : memref<200x128xi32, #tpu.memory_space<hbm>>) target(%arg5 : memref<200x128xi32, #tpu.memory_space<vmem>>) target_semaphore(%run_scoped3A : memref<!tpu.dma_semaphore, #tpu.memory_space<semaphore_mem>>)
      %dma_wait3A_141 = arith.constant 0 : i32
      %dma_wait3A_142 = tpu.memref_slice %arg2[%dma_wait3A_141, %mul3A_2] : memref<200x4096xi32, #tpu.memory_space<hbm>> -> memref<200x128xi32, #tpu.memory_space<hbm>>
      %dma_wait3A_143 = arith.constant 0 : i32
      %dma_wait3A_144 = tpu.memref_slice %arg2[%dma_wait3A_143, %mul3A_2] : memref<200x4096xi32, #tpu.memory_space<hbm>> -> memref<200x128xi32, #tpu.memory_space<hbm>>
      tpu.wait_dma2 semaphore(%run_scoped3A : memref<!tpu.dma_semaphore, #tpu.memory_space<semaphore_mem>>) src(%dma_wait3A_144 : memref<200x128xi32, #tpu.memory_space<hbm>>) dst(%arg5 : memref<200x128xi32, #tpu.memory_space<vmem>>)
      tpu.yield
    }) : () -> ()
    %iota3A = tpu.iota {dimensions = array<i32: 0>} : vector<16xi32>
    %add3A_3 = arith.constant 0 : i32
    %add3A_4 = vector.broadcast %add3A_3 : i32 to vector<16xi32>
    %add3A_5 = arith.addi %iota3A, %add3A_4 : vector<16xi32>
    %add3A_6 = arith.constant 16 : i32
    %add3A_7 = vector.broadcast %add3A_6 : i32 to vector<16xi32>
    %add3A_8 = arith.addi %iota3A, %add3A_7 : vector<16xi32>
    %add3A_9 = arith.constant 32 : i32
    %add3A_10 = vector.broadcast %add3A_9 : i32 to vector<16xi32>
    %add3A_11 = arith.addi %iota3A, %add3A_10 : vector<16xi32>
    %add3A_12 = arith.constant 48 : i32
    %add3A_13 = vector.broadcast %add3A_12 : i32 to vector<16xi32>
    %add3A_14 = arith.addi %iota3A, %add3A_13 : vector<16xi32>
    %shift_right_logical3A = arith.constant 3 : i32
    %shift_right_logical3A_15 = vector.broadcast %shift_right_logical3A : i32 to vector<16xi32>
    %shift_right_logical3A_16 = arith.shrui %add3A_5, %shift_right_logical3A_15 : vector<16xi32>
    %shift_right_logical3A_17 = arith.constant 3 : i32
    %shift_right_logical3A_18 = vector.broadcast %shift_right_logical3A_17 : i32 to vector<16xi32>
    %shift_right_logical3A_19 = arith.shrui %add3A_8, %shift_right_logical3A_18 : vector<16xi32>
    %shift_right_logical3A_20 = arith.constant 3 : i32
    %shift_right_logical3A_21 = vector.broadcast %shift_right_logical3A_20 : i32 to vector<16xi32>
    %shift_right_logical3A_22 = arith.shrui %add3A_11, %shift_right_logical3A_21 : vector<16xi32>
    %shift_right_logical3A_23 = arith.constant 3 : i32
    %shift_right_logical3A_24 = vector.broadcast %shift_right_logical3A_23 : i32 to vector<16xi32>
    %shift_right_logical3A_25 = arith.shrui %add3A_14, %shift_right_logical3A_24 : vector<16xi32>
    %and3A = arith.constant 7 : i32
    %and3A_26 = vector.broadcast %and3A : i32 to vector<16xi32>
    %and3A_27 = arith.andi %add3A_5, %and3A_26 : vector<16xi32>
    %and3A_28 = arith.constant 7 : i32
    %and3A_29 = vector.broadcast %and3A_28 : i32 to vector<16xi32>
    %and3A_30 = arith.andi %add3A_8, %and3A_29 : vector<16xi32>
    %and3A_31 = arith.constant 7 : i32
    %and3A_32 = vector.broadcast %and3A_31 : i32 to vector<16xi32>
    %and3A_33 = arith.andi %add3A_11, %and3A_32 : vector<16xi32>
    %and3A_34 = arith.constant 7 : i32
    %and3A_35 = vector.broadcast %and3A_34 : i32 to vector<16xi32>
    %and3A_36 = arith.andi %add3A_14, %and3A_35 : vector<16xi32>
    %dma_start3A = arith.constant 0 : i32
    %dma_start3A_37 = arith.constant 0 : i32
    %dma_start3A_38 = tpu.memref_slice %arg5[%dma_start3A, %dma_start3A_37] : memref<200x128xi32, #tpu.memory_space<vmem>> -> memref<1x128xi32, #tpu.memory_space<vmem>>
    %dma_start3A_39 = tpu.memref_squeeze %dma_start3A_38 : memref<1x128xi32, #tpu.memory_space<vmem>> -> memref<128xi32, #tpu.memory_space<vmem>>
    %dma_start3A_40 = arith.constant 0 : i32
    %dma_start3A_41 = arith.constant 0 : i32
    %dma_start3A_42 = tpu.memref_slice %arg3[%dma_start3A_40, %dma_start3A_41] : memref<1000000x128xf32, #tpu.memory_space<hbm>> -> memref<1000000x128xf32, #tpu.memory_space<hbm>>
    tpu.enqueue_indirect_dma source(%dma_start3A_42 : memref<1000000x128xf32, #tpu.memory_space<hbm>>) target(%arg6 : memref<128x128xf32, #tpu.memory_space<vmem>>) offsets(%dma_start3A_39 : memref<128xi32, #tpu.memory_space<vmem>>) semaphore(%arg14 : memref<!tpu.dma_semaphore, #tpu.memory_space<semaphore_mem>>)
    %dma_start3A_43 = arith.constant 1 : i32
    %dma_start3A_44 = arith.constant 0 : i32
    %dma_start3A_45 = tpu.memref_slice %arg5[%dma_start3A_43, %dma_start3A_44] : memref<200x128xi32, #tpu.memory_space<vmem>> -> memref<1x128xi32, #tpu.memory_space<vmem>>
    %dma_start3A_46 = tpu.memref_squeeze %dma_start3A_45 : memref<1x128xi32, #tpu.memory_space<vmem>> -> memref<128xi32, #tpu.memory_space<vmem>>
    %dma_start3A_47 = arith.constant 0 : i32
    %dma_start3A_48 = arith.constant 0 : i32
    %dma_start3A_49 = tpu.memref_slice %arg3[%dma_start3A_47, %dma_start3A_48] : memref<1000000x128xf32, #tpu.memory_space<hbm>> -> memref<1000000x128xf32, #tpu.memory_space<hbm>>
    tpu.enqueue_indirect_dma source(%dma_start3A_49 : memref<1000000x128xf32, #tpu.memory_space<hbm>>) target(%arg7 : memref<128x128xf32, #tpu.memory_space<vmem>>) offsets(%dma_start3A_46 : memref<128xi32, #tpu.memory_space<vmem>>) semaphore(%arg15 : memref<!tpu.dma_semaphore, #tpu.memory_space<semaphore_mem>>)
    %dma_start3A_50 = arith.constant 2 : i32
    %dma_start3A_51 = arith.constant 0 : i32
    %dma_start3A_52 = tpu.memref_slice %arg5[%dma_start3A_50, %dma_start3A_51] : memref<200x128xi32, #tpu.memory_space<vmem>> -> memref<1x128xi32, #tpu.memory_space<vmem>>
    %dma_start3A_53 = tpu.memref_squeeze %dma_start3A_52 : memref<1x128xi32, #tpu.memory_space<vmem>> -> memref<128xi32, #tpu.memory_space<vmem>>
    %dma_start3A_54 = arith.constant 0 : i32
    %dma_start3A_55 = arith.constant 0 : i32
    %dma_start3A_56 = tpu.memref_slice %arg3[%dma_start3A_54, %dma_start3A_55] : memref<1000000x128xf32, #tpu.memory_space<hbm>> -> memref<1000000x128xf32, #tpu.memory_space<hbm>>
    tpu.enqueue_indirect_dma source(%dma_start3A_56 : memref<1000000x128xf32, #tpu.memory_space<hbm>>) target(%arg8 : memref<128x128xf32, #tpu.memory_space<vmem>>) offsets(%dma_start3A_53 : memref<128xi32, #tpu.memory_space<vmem>>) semaphore(%arg16 : memref<!tpu.dma_semaphore, #tpu.memory_space<semaphore_mem>>)
    %scan3A = arith.constant 0 : i32
    %scan3A_57 = arith.constant 0 : i32
    %scan3A_58 = arith.constant 50 : i32
    %scan3A_59 = arith.addi %scan3A_57, %scan3A_58 : i32
    %scan3A_60 = arith.constant 1 : i32
    scf.for %scan3A_137 = %scan3A_57 to %scan3A_59 step %scan3A_60  : i32 {
      %mul3A_138 = arith.constant 4 : i32
      %mul3A_139 = arith.muli %scan3A_137, %mul3A_138 : i32
      %add3A_140 = arith.constant 0 : i32
      %add3A_141 = arith.addi %mul3A_139, %add3A_140 : i32
      %dma_wait3A_142 = arith.constant 0 : i32
      %dma_wait3A_143 = tpu.memref_slice %arg5[%add3A_141, %dma_wait3A_142] : memref<200x128xi32, #tpu.memory_space<vmem>> -> memref<1x128xi32, #tpu.memory_space<vmem>>
      %dma_wait3A_144 = tpu.memref_squeeze %dma_wait3A_143 : memref<1x128xi32, #tpu.memory_space<vmem>> -> memref<128xi32, #tpu.memory_space<vmem>>
      %dma_wait3A_145 = arith.constant 0 : i32
      %dma_wait3A_146 = arith.constant 0 : i32
      %dma_wait3A_147 = tpu.memref_slice %arg3[%dma_wait3A_145, %dma_wait3A_146] : memref<1000000x128xf32, #tpu.memory_space<hbm>> -> memref<1000000x128xf32, #tpu.memory_space<hbm>>
      tpu.wait_indirect_dma semaphore(%arg14 : memref<!tpu.dma_semaphore, #tpu.memory_space<semaphore_mem>>) src(%dma_wait3A_147 : memref<1000000x128xf32, #tpu.memory_space<hbm>>) dst(%arg6 : memref<128x128xf32, #tpu.memory_space<vmem>>)
      %parallel_loop3A = arith.constant 0 : i32
      %parallel_loop3A_148 = arith.constant 128 : i32
      %parallel_loop3A_149 = arith.constant 1 : i32
      scf.for %parallel_loop3A_286 = %parallel_loop3A to %parallel_loop3A_148 step %parallel_loop3A_149  : i32 {
        %parallel_loop3A_287 = vector.broadcast %parallel_loop3A_286 : i32 to vector<16xi32>
        %parallel_loop3A_288 = arith.index_cast %parallel_loop3A_286 : i32 to index
        %parallel_loop3A_289 = arith.constant 0 : index
        %parallel_loop3A_290 = tpu.vector_load %arg6[%parallel_loop3A_288, %parallel_loop3A_289] {strides = array<i32>} : memref<128x128xf32, #tpu.memory_space<vmem>>, vector<16xf32>,
        %parallel_loop3A_291 = arith.constant 8.000000e+00 : f32
        %parallel_loop3A_292 = vector.broadcast %parallel_loop3A_291 : f32 to vector<16xf32>
        %parallel_loop3A_293 = arith.mulf %parallel_loop3A_290, %parallel_loop3A_292 : vector<16xf32>
        tpu.vector_store_idx %arg10[%shift_right_logical3A_16, %and3A_27, %parallel_loop3A_287], %parallel_loop3A_293 : memref<8x8x129xf32, #tpu.memory_space<vmem>>[vector<16xi32>, vector<16xi32>, vector<16xi32>], vector<16xf32>,
        %parallel_loop3A_294 = arith.index_cast %parallel_loop3A_286 : i32 to index
        %parallel_loop3A_295 = arith.constant 16 : index
        %parallel_loop3A_296 = tpu.vector_load %arg6[%parallel_loop3A_294, %parallel_loop3A_295] {strides = array<i32>} : memref<128x128xf32, #tpu.memory_space<vmem>>, vector<16xf32>,
        %parallel_loop3A_297 = arith.constant 8.000000e+00 : f32
        %parallel_loop3A_298 = vector.broadcast %parallel_loop3A_297 : f32 to vector<16xf32>
        %parallel_loop3A_299 = arith.mulf %parallel_loop3A_296, %parallel_loop3A_298 : vector<16xf32>
        tpu.vector_store_idx %arg10[%shift_right_logical3A_19, %and3A_30, %parallel_loop3A_287], %parallel_loop3A_299 : memref<8x8x129xf32, #tpu.memory_space<vmem>>[vector<16xi32>, vector<16xi32>, vector<16xi32>], vector<16xf32>,
        %parallel_loop3A_300 = arith.index_cast %parallel_loop3A_286 : i32 to index
        %parallel_loop3A_301 = arith.constant 32 : index
        %parallel_loop3A_302 = tpu.vector_load %arg6[%parallel_loop3A_300, %parallel_loop3A_301] {strides = array<i32>} : memref<128x128xf32, #tpu.memory_space<vmem>>, vector<16xf32>,
        %parallel_loop3A_303 = arith.constant 8.000000e+00 : f32
        %parallel_loop3A_304 = vector.broadcast %parallel_loop3A_303 : f32 to vector<16xf32>
        %parallel_loop3A_305 = arith.mulf %parallel_loop3A_302, %parallel_loop3A_304 : vector<16xf32>
        tpu.vector_store_idx %arg10[%shift_right_logical3A_22, %and3A_33, %parallel_loop3A_287], %parallel_loop3A_305 : memref<8x8x129xf32, #tpu.memory_space<vmem>>[vector<16xi32>, vector<16xi32>, vector<16xi32>], vector<16xf32>,
        %parallel_loop3A_306 = arith.index_cast %parallel_loop3A_286 : i32 to index
        %parallel_loop3A_307 = arith.constant 48 : index
        %parallel_loop3A_308 = tpu.vector_load %arg6[%parallel_loop3A_306, %parallel_loop3A_307] {strides = array<i32>} : memref<128x128xf32, #tpu.memory_space<vmem>>, vector<16xf32>,
        %parallel_loop3A_309 = arith.constant 8.000000e+00 : f32
        %parallel_loop3A_310 = vector.broadcast %parallel_loop3A_309 : f32 to vector<16xf32>
        %parallel_loop3A_311 = arith.mulf %parallel_loop3A_308, %parallel_loop3A_310 : vector<16xf32>
        tpu.vector_store_idx %arg10[%shift_right_logical3A_25, %and3A_36, %parallel_loop3A_287], %parallel_loop3A_311 : memref<8x8x129xf32, #tpu.memory_space<vmem>>[vector<16xi32>, vector<16xi32>, vector<16xi32>], vector<16xf32>,
      } {sc.loop_unroll_factor = 4 : i64, sc.parallel_access}
      %dma_start3A_150 = arith.constant 0 : i32
      %dma_start3A_151 = arith.constant 0 : i32
      %dma_start3A_152 = arith.constant 0 : i32
      %dma_start3A_153 = tpu.memref_slice %arg10[%dma_start3A_150, %dma_start3A_151, %dma_start3A_152] : memref<8x8x129xf32, #tpu.memory_space<vmem>> -> memref<8x8x128xf32, #tpu.memory_space<vmem>>
      %dma_start3A_154 = arith.constant 0 : i32
      %dma_start3A_155 = arith.constant 0 : i32
      %dma_start3A_156 = arith.constant 0 : i32
      %dma_start3A_157 = tpu.memref_slice %arg4[%add3A_141, %dma_start3A_154, %add3A, %dma_start3A_155, %dma_start3A_156] : memref<200x8x32x8x128xf32, #tpu.memory_space<hbm>> -> memref<1x8x1x8x128xf32, #tpu.memory_space<hbm>>
      %dma_start3A_158 = tpu.memref_squeeze %dma_start3A_157 : memref<1x8x1x8x128xf32, #tpu.memory_space<hbm>> -> memref<8x8x128xf32, #tpu.memory_space<hbm>>
      %dma_start3A_159 = arith.constant 0 : i32
      %dma_start3A_160 = arith.constant 0 : i32
      %dma_start3A_161 = arith.constant 0 : i32
      %dma_start3A_162 = tpu.memref_slice %arg4[%add3A_141, %dma_start3A_159, %add3A, %dma_start3A_160, %dma_start3A_161] : memref<200x8x32x8x128xf32, #tpu.memory_space<hbm>> -> memref<1x8x1x8x128xf32, #tpu.memory_space<hbm>>
      %dma_start3A_163 = tpu.memref_squeeze %dma_start3A_162 : memref<1x8x1x8x128xf32, #tpu.memory_space<hbm>> -> memref<8x8x128xf32, #tpu.memory_space<hbm>>
      %dma_start3A_164 = arith.constant 0 : i32
      %dma_start3A_165 = arith.constant 0 : i32
      %dma_start3A_166 = arith.constant 0 : i32
      %dma_start3A_167 = tpu.memref_slice %arg10[%dma_start3A_164, %dma_start3A_165, %dma_start3A_166] : memref<8x8x129xf32, #tpu.memory_space<vmem>> -> memref<8x8x128xf32, #tpu.memory_space<vmem>>
      tpu.enqueue_dma source(%dma_start3A_167 : memref<8x8x128xf32, #tpu.memory_space<vmem>>) target(%dma_start3A_163 : memref<8x8x128xf32, #tpu.memory_space<hbm>>) target_semaphore(%arg18 : memref<!tpu.dma_semaphore, #tpu.memory_space<semaphore_mem>>)
      %add3A_168 = arith.constant 3 : i32
      %add3A_169 = arith.addi %add3A_141, %add3A_168 : i32
      %lt3A = arith.constant 200 : i32
      %lt3A_170 = arith.cmpi slt, %add3A_169, %lt3A : i32
      %convert_element_type3A = arith.extui %lt3A_170 : i1 to i32
      %cond3A = arith.constant 0 : i32
      %cond3A_171 = arith.cmpi ne, %convert_element_type3A, %cond3A : i32
      scf.if %cond3A_171 {
        %ge3A = arith.constant 1 : i32
        %ge3A_286 = arith.cmpi sge, %add3A_141, %ge3A : i32
        %convert_element_type3A_287 = arith.extui %ge3A_286 : i1 to i32
        %cond3A_288 = arith.constant 0 : i32
        %cond3A_289 = arith.cmpi ne, %convert_element_type3A_287, %cond3A_288 : i32
        scf.if %cond3A_289 {
          %sub3A = arith.constant 4 : i32
          %sub3A_296 = arith.subi %add3A_169, %sub3A : i32
          %dma_wait3A_297 = arith.constant 0 : i32
          %dma_wait3A_298 = arith.constant 0 : i32
          %dma_wait3A_299 = arith.constant 0 : i32
          %dma_wait3A_300 = tpu.memref_slice %arg13[%dma_wait3A_297, %dma_wait3A_298, %dma_wait3A_299] : memref<8x8x129xf32, #tpu.memory_space<vmem>> -> memref<8x8x128xf32, #tpu.memory_space<vmem>>
          %dma_wait3A_301 = arith.constant 0 : i32
          %dma_wait3A_302 = arith.constant 0 : i32
          %dma_wait3A_303 = arith.constant 0 : i32
          %dma_wait3A_304 = tpu.memref_slice %arg4[%sub3A_296, %dma_wait3A_301, %add3A, %dma_wait3A_302, %dma_wait3A_303] : memref<200x8x32x8x128xf32, #tpu.memory_space<hbm>> -> memref<1x8x1x8x128xf32, #tpu.memory_space<hbm>>
          %dma_wait3A_305 = tpu.memref_squeeze %dma_wait3A_304 : memref<1x8x1x8x128xf32, #tpu.memory_space<hbm>> -> memref<8x8x128xf32, #tpu.memory_space<hbm>>
          %dma_wait3A_306 = arith.constant 0 : i32
          %dma_wait3A_307 = arith.constant 0 : i32
          %dma_wait3A_308 = arith.constant 0 : i32
          %dma_wait3A_309 = tpu.memref_slice %arg4[%sub3A_296, %dma_wait3A_306, %add3A, %dma_wait3A_307, %dma_wait3A_308] : memref<200x8x32x8x128xf32, #tpu.memory_space<hbm>> -> memref<1x8x1x8x128xf32, #tpu.memory_space<hbm>>
          %dma_wait3A_310 = tpu.memref_squeeze %dma_wait3A_309 : memref<1x8x1x8x128xf32, #tpu.memory_space<hbm>> -> memref<8x8x128xf32, #tpu.memory_space<hbm>>
          %dma_wait3A_311 = arith.constant 0 : i32
          %dma_wait3A_312 = arith.constant 0 : i32
          %dma_wait3A_313 = arith.constant 0 : i32
          %dma_wait3A_314 = tpu.memref_slice %arg13[%dma_wait3A_311, %dma_wait3A_312, %dma_wait3A_313] : memref<8x8x129xf32, #tpu.memory_space<vmem>> -> memref<8x8x128xf32, #tpu.memory_space<vmem>>
          tpu.wait_dma2 semaphore(%arg21 : memref<!tpu.dma_semaphore, #tpu.memory_space<semaphore_mem>>) src(%dma_wait3A_314 : memref<8x8x128xf32, #tpu.memory_space<vmem>>) dst(%dma_wait3A_310 : memref<8x8x128xf32, #tpu.memory_space<hbm>>)
        } else {
        }
        %dma_start3A_290 = arith.constant 0 : i32
        %dma_start3A_291 = tpu.memref_slice %arg5[%add3A_169, %dma_start3A_290] : memref<200x128xi32, #tpu.memory_space<vmem>> -> memref<1x128xi32, #tpu.memory_space<vmem>>
        %dma_start3A_292 = tpu.memref_squeeze %dma_start3A_291 : memref<1x128xi32, #tpu.memory_space<vmem>> -> memref<128xi32, #tpu.memory_space<vmem>>
        %dma_start3A_293 = arith.constant 0 : i32
        %dma_start3A_294 = arith.constant 0 : i32
        %dma_start3A_295 = tpu.memref_slice %arg3[%dma_start3A_293, %dma_start3A_294] : memref<1000000x128xf32, #tpu.memory_space<hbm>> -> memref<1000000x128xf32, #tpu.memory_space<hbm>>
        tpu.enqueue_indirect_dma source(%dma_start3A_295 : memref<1000000x128xf32, #tpu.memory_space<hbm>>) target(%arg9 : memref<128x128xf32, #tpu.memory_space<vmem>>) offsets(%dma_start3A_292 : memref<128xi32, #tpu.memory_space<vmem>>) semaphore(%arg17 : memref<!tpu.dma_semaphore, #tpu.memory_space<semaphore_mem>>)
      } else {
      }
      %mul3A_172 = arith.constant 4 : i32
      %mul3A_173 = arith.muli %scan3A_137, %mul3A_172 : i32
      %add3A_174 = arith.constant 1 : i32
      %add3A_175 = arith.addi %mul3A_173, %add3A_174 : i32
      %dma_wait3A_176 = arith.constant 0 : i32
      %dma_wait3A_177 = tpu.memref_slice %arg5[%add3A_175, %dma_wait3A_176] : memref<200x128xi32, #tpu.memory_space<vmem>> -> memref<1x128xi32, #tpu.memory_space<vmem>>
      %dma_wait3A_178 = tpu.memref_squeeze %dma_wait3A_177 : memref<1x128xi32, #tpu.memory_space<vmem>> -> memref<128xi32, #tpu.memory_space<vmem>>
      %dma_wait3A_179 = arith.constant 0 : i32
      %dma_wait3A_180 = arith.constant 0 : i32
      %dma_wait3A_181 = tpu.memref_slice %arg3[%dma_wait3A_179, %dma_wait3A_180] : memref<1000000x128xf32, #tpu.memory_space<hbm>> -> memref<1000000x128xf32, #tpu.memory_space<hbm>>
      tpu.wait_indirect_dma semaphore(%arg15 : memref<!tpu.dma_semaphore, #tpu.memory_space<semaphore_mem>>) src(%dma_wait3A_181 : memref<1000000x128xf32, #tpu.memory_space<hbm>>) dst(%arg7 : memref<128x128xf32, #tpu.memory_space<vmem>>)
      %parallel_loop3A_182 = arith.constant 0 : i32
      %parallel_loop3A_183 = arith.constant 128 : i32
      %parallel_loop3A_184 = arith.constant 1 : i32
      scf.for %parallel_loop3A_286 = %parallel_loop3A_182 to %parallel_loop3A_183 step %parallel_loop3A_184  : i32 {
        %parallel_loop3A_287 = vector.broadcast %parallel_loop3A_286 : i32 to vector<16xi32>
        %parallel_loop3A_288 = arith.index_cast %parallel_loop3A_286 : i32 to index
        %parallel_loop3A_289 = arith.constant 0 : index
        %parallel_loop3A_290 = tpu.vector_load %arg7[%parallel_loop3A_288, %parallel_loop3A_289] {strides = array<i32>} : memref<128x128xf32, #tpu.memory_space<vmem>>, vector<16xf32>,
        %parallel_loop3A_291 = arith.constant 8.000000e+00 : f32
        %parallel_loop3A_292 = vector.broadcast %parallel_loop3A_291 : f32 to vector<16xf32>
        %parallel_loop3A_293 = arith.mulf %parallel_loop3A_290, %parallel_loop3A_292 : vector<16xf32>
        tpu.vector_store_idx %arg11[%shift_right_logical3A_16, %and3A_27, %parallel_loop3A_287], %parallel_loop3A_293 : memref<8x8x129xf32, #tpu.memory_space<vmem>>[vector<16xi32>, vector<16xi32>, vector<16xi32>], vector<16xf32>,
        %parallel_loop3A_294 = arith.index_cast %parallel_loop3A_286 : i32 to index
        %parallel_loop3A_295 = arith.constant 16 : index
        %parallel_loop3A_296 = tpu.vector_load %arg7[%parallel_loop3A_294, %parallel_loop3A_295] {strides = array<i32>} : memref<128x128xf32, #tpu.memory_space<vmem>>, vector<16xf32>,
        %parallel_loop3A_297 = arith.constant 8.000000e+00 : f32
        %parallel_loop3A_298 = vector.broadcast %parallel_loop3A_297 : f32 to vector<16xf32>
        %parallel_loop3A_299 = arith.mulf %parallel_loop3A_296, %parallel_loop3A_298 : vector<16xf32>
        tpu.vector_store_idx %arg11[%shift_right_logical3A_19, %and3A_30, %parallel_loop3A_287], %parallel_loop3A_299 : memref<8x8x129xf32, #tpu.memory_space<vmem>>[vector<16xi32>, vector<16xi32>, vector<16xi32>], vector<16xf32>,
        %parallel_loop3A_300 = arith.index_cast %parallel_loop3A_286 : i32 to index
        %parallel_loop3A_301 = arith.constant 32 : index
        %parallel_loop3A_302 = tpu.vector_load %arg7[%parallel_loop3A_300, %parallel_loop3A_301] {strides = array<i32>} : memref<128x128xf32, #tpu.memory_space<vmem>>, vector<16xf32>,
        %parallel_loop3A_303 = arith.constant 8.000000e+00 : f32
        %parallel_loop3A_304 = vector.broadcast %parallel_loop3A_303 : f32 to vector<16xf32>
        %parallel_loop3A_305 = arith.mulf %parallel_loop3A_302, %parallel_loop3A_304 : vector<16xf32>
        tpu.vector_store_idx %arg11[%shift_right_logical3A_22, %and3A_33, %parallel_loop3A_287], %parallel_loop3A_305 : memref<8x8x129xf32, #tpu.memory_space<vmem>>[vector<16xi32>, vector<16xi32>, vector<16xi32>], vector<16xf32>,
        %parallel_loop3A_306 = arith.index_cast %parallel_loop3A_286 : i32 to index
        %parallel_loop3A_307 = arith.constant 48 : index
        %parallel_loop3A_308 = tpu.vector_load %arg7[%parallel_loop3A_306, %parallel_loop3A_307] {strides = array<i32>} : memref<128x128xf32, #tpu.memory_space<vmem>>, vector<16xf32>,
        %parallel_loop3A_309 = arith.constant 8.000000e+00 : f32
        %parallel_loop3A_310 = vector.broadcast %parallel_loop3A_309 : f32 to vector<16xf32>
        %parallel_loop3A_311 = arith.mulf %parallel_loop3A_308, %parallel_loop3A_310 : vector<16xf32>
        tpu.vector_store_idx %arg11[%shift_right_logical3A_25, %and3A_36, %parallel_loop3A_287], %parallel_loop3A_311 : memref<8x8x129xf32, #tpu.memory_space<vmem>>[vector<16xi32>, vector<16xi32>, vector<16xi32>], vector<16xf32>,
      } {sc.loop_unroll_factor = 4 : i64, sc.parallel_access}
      %dma_start3A_185 = arith.constant 0 : i32
      %dma_start3A_186 = arith.constant 0 : i32
      %dma_start3A_187 = arith.constant 0 : i32
      %dma_start3A_188 = tpu.memref_slice %arg11[%dma_start3A_185, %dma_start3A_186, %dma_start3A_187] : memref<8x8x129xf32, #tpu.memory_space<vmem>> -> memref<8x8x128xf32, #tpu.memory_space<vmem>>
      %dma_start3A_189 = arith.constant 0 : i32
      %dma_start3A_190 = arith.constant 0 : i32
      %dma_start3A_191 = arith.constant 0 : i32
      %dma_start3A_192 = tpu.memref_slice %arg4[%add3A_175, %dma_start3A_189, %add3A, %dma_start3A_190, %dma_start3A_191] : memref<200x8x32x8x128xf32, #tpu.memory_space<hbm>> -> memref<1x8x1x8x128xf32, #tpu.memory_space<hbm>>
      %dma_start3A_193 = tpu.memref_squeeze %dma_start3A_192 : memref<1x8x1x8x128xf32, #tpu.memory_space<hbm>> -> memref<8x8x128xf32, #tpu.memory_space<hbm>>
      %dma_start3A_194 = arith.constant 0 : i32
      %dma_start3A_195 = arith.constant 0 : i32
      %dma_start3A_196 = arith.constant 0 : i32
      %dma_start3A_197 = tpu.memref_slice %arg4[%add3A_175, %dma_start3A_194, %add3A, %dma_start3A_195, %dma_start3A_196] : memref<200x8x32x8x128xf32, #tpu.memory_space<hbm>> -> memref<1x8x1x8x128xf32, #tpu.memory_space<hbm>>
      %dma_start3A_198 = tpu.memref_squeeze %dma_start3A_197 : memref<1x8x1x8x128xf32, #tpu.memory_space<hbm>> -> memref<8x8x128xf32, #tpu.memory_space<hbm>>
      %dma_start3A_199 = arith.constant 0 : i32
      %dma_start3A_200 = arith.constant 0 : i32
      %dma_start3A_201 = arith.constant 0 : i32
      %dma_start3A_202 = tpu.memref_slice %arg11[%dma_start3A_199, %dma_start3A_200, %dma_start3A_201] : memref<8x8x129xf32, #tpu.memory_space<vmem>> -> memref<8x8x128xf32, #tpu.memory_space<vmem>>
      tpu.enqueue_dma source(%dma_start3A_202 : memref<8x8x128xf32, #tpu.memory_space<vmem>>) target(%dma_start3A_198 : memref<8x8x128xf32, #tpu.memory_space<hbm>>) target_semaphore(%arg19 : memref<!tpu.dma_semaphore, #tpu.memory_space<semaphore_mem>>)
      %add3A_203 = arith.constant 3 : i32
      %add3A_204 = arith.addi %add3A_175, %add3A_203 : i32
      %lt3A_205 = arith.constant 200 : i32
      %lt3A_206 = arith.cmpi slt, %add3A_204, %lt3A_205 : i32
      %convert_element_type3A_207 = arith.extui %lt3A_206 : i1 to i32
      %cond3A_208 = arith.constant 0 : i32
      %cond3A_209 = arith.cmpi ne, %convert_element_type3A_207, %cond3A_208 : i32
      scf.if %cond3A_209 {
        %ge3A = arith.constant 1 : i32
        %ge3A_286 = arith.cmpi sge, %add3A_175, %ge3A : i32
        %convert_element_type3A_287 = arith.extui %ge3A_286 : i1 to i32
        %cond3A_288 = arith.constant 0 : i32
        %cond3A_289 = arith.cmpi ne, %convert_element_type3A_287, %cond3A_288 : i32
        scf.if %cond3A_289 {
          %sub3A = arith.constant 4 : i32
          %sub3A_296 = arith.subi %add3A_204, %sub3A : i32
          %dma_wait3A_297 = arith.constant 0 : i32
          %dma_wait3A_298 = arith.constant 0 : i32
          %dma_wait3A_299 = arith.constant 0 : i32
          %dma_wait3A_300 = tpu.memref_slice %arg10[%dma_wait3A_297, %dma_wait3A_298, %dma_wait3A_299] : memref<8x8x129xf32, #tpu.memory_space<vmem>> -> memref<8x8x128xf32, #tpu.memory_space<vmem>>
          %dma_wait3A_301 = arith.constant 0 : i32
          %dma_wait3A_302 = arith.constant 0 : i32
          %dma_wait3A_303 = arith.constant 0 : i32
          %dma_wait3A_304 = tpu.memref_slice %arg4[%sub3A_296, %dma_wait3A_301, %add3A, %dma_wait3A_302, %dma_wait3A_303] : memref<200x8x32x8x128xf32, #tpu.memory_space<hbm>> -> memref<1x8x1x8x128xf32, #tpu.memory_space<hbm>>
          %dma_wait3A_305 = tpu.memref_squeeze %dma_wait3A_304 : memref<1x8x1x8x128xf32, #tpu.memory_space<hbm>> -> memref<8x8x128xf32, #tpu.memory_space<hbm>>
          %dma_wait3A_306 = arith.constant 0 : i32
          %dma_wait3A_307 = arith.constant 0 : i32
          %dma_wait3A_308 = arith.constant 0 : i32
          %dma_wait3A_309 = tpu.memref_slice %arg4[%sub3A_296, %dma_wait3A_306, %add3A, %dma_wait3A_307, %dma_wait3A_308] : memref<200x8x32x8x128xf32, #tpu.memory_space<hbm>> -> memref<1x8x1x8x128xf32, #tpu.memory_space<hbm>>
          %dma_wait3A_310 = tpu.memref_squeeze %dma_wait3A_309 : memref<1x8x1x8x128xf32, #tpu.memory_space<hbm>> -> memref<8x8x128xf32, #tpu.memory_space<hbm>>
          %dma_wait3A_311 = arith.constant 0 : i32
          %dma_wait3A_312 = arith.constant 0 : i32
          %dma_wait3A_313 = arith.constant 0 : i32
          %dma_wait3A_314 = tpu.memref_slice %arg10[%dma_wait3A_311, %dma_wait3A_312, %dma_wait3A_313] : memref<8x8x129xf32, #tpu.memory_space<vmem>> -> memref<8x8x128xf32, #tpu.memory_space<vmem>>
          tpu.wait_dma2 semaphore(%arg18 : memref<!tpu.dma_semaphore, #tpu.memory_space<semaphore_mem>>) src(%dma_wait3A_314 : memref<8x8x128xf32, #tpu.memory_space<vmem>>) dst(%dma_wait3A_310 : memref<8x8x128xf32, #tpu.memory_space<hbm>>)
        } else {
        }
        %dma_start3A_290 = arith.constant 0 : i32
        %dma_start3A_291 = tpu.memref_slice %arg5[%add3A_204, %dma_start3A_290] : memref<200x128xi32, #tpu.memory_space<vmem>> -> memref<1x128xi32, #tpu.memory_space<vmem>>
        %dma_start3A_292 = tpu.memref_squeeze %dma_start3A_291 : memref<1x128xi32, #tpu.memory_space<vmem>> -> memref<128xi32, #tpu.memory_space<vmem>>
        %dma_start3A_293 = arith.constant 0 : i32
        %dma_start3A_294 = arith.constant 0 : i32
        %dma_start3A_295 = tpu.memref_slice %arg3[%dma_start3A_293, %dma_start3A_294] : memref<1000000x128xf32, #tpu.memory_space<hbm>> -> memref<1000000x128xf32, #tpu.memory_space<hbm>>
        tpu.enqueue_indirect_dma source(%dma_start3A_295 : memref<1000000x128xf32, #tpu.memory_space<hbm>>) target(%arg6 : memref<128x128xf32, #tpu.memory_space<vmem>>) offsets(%dma_start3A_292 : memref<128xi32, #tpu.memory_space<vmem>>) semaphore(%arg14 : memref<!tpu.dma_semaphore, #tpu.memory_space<semaphore_mem>>)
      } else {
      }
      %mul3A_210 = arith.constant 4 : i32
      %mul3A_211 = arith.muli %scan3A_137, %mul3A_210 : i32
      %add3A_212 = arith.constant 2 : i32
      %add3A_213 = arith.addi %mul3A_211, %add3A_212 : i32
      %dma_wait3A_214 = arith.constant 0 : i32
      %dma_wait3A_215 = tpu.memref_slice %arg5[%add3A_213, %dma_wait3A_214] : memref<200x128xi32, #tpu.memory_space<vmem>> -> memref<1x128xi32, #tpu.memory_space<vmem>>
      %dma_wait3A_216 = tpu.memref_squeeze %dma_wait3A_215 : memref<1x128xi32, #tpu.memory_space<vmem>> -> memref<128xi32, #tpu.memory_space<vmem>>
      %dma_wait3A_217 = arith.constant 0 : i32
      %dma_wait3A_218 = arith.constant 0 : i32
      %dma_wait3A_219 = tpu.memref_slice %arg3[%dma_wait3A_217, %dma_wait3A_218] : memref<1000000x128xf32, #tpu.memory_space<hbm>> -> memref<1000000x128xf32, #tpu.memory_space<hbm>>
      tpu.wait_indirect_dma semaphore(%arg16 : memref<!tpu.dma_semaphore, #tpu.memory_space<semaphore_mem>>) src(%dma_wait3A_219 : memref<1000000x128xf32, #tpu.memory_space<hbm>>) dst(%arg8 : memref<128x128xf32, #tpu.memory_space<vmem>>)
      %parallel_loop3A_220 = arith.constant 0 : i32
      %parallel_loop3A_221 = arith.constant 128 : i32
      %parallel_loop3A_222 = arith.constant 1 : i32
      scf.for %parallel_loop3A_286 = %parallel_loop3A_220 to %parallel_loop3A_221 step %parallel_loop3A_222  : i32 {
        %parallel_loop3A_287 = vector.broadcast %parallel_loop3A_286 : i32 to vector<16xi32>
        %parallel_loop3A_288 = arith.index_cast %parallel_loop3A_286 : i32 to index
        %parallel_loop3A_289 = arith.constant 0 : index
        %parallel_loop3A_290 = tpu.vector_load %arg8[%parallel_loop3A_288, %parallel_loop3A_289] {strides = array<i32>} : memref<128x128xf32, #tpu.memory_space<vmem>>, vector<16xf32>,
        %parallel_loop3A_291 = arith.constant 8.000000e+00 : f32
        %parallel_loop3A_292 = vector.broadcast %parallel_loop3A_291 : f32 to vector<16xf32>
        %parallel_loop3A_293 = arith.mulf %parallel_loop3A_290, %parallel_loop3A_292 : vector<16xf32>
        tpu.vector_store_idx %arg12[%shift_right_logical3A_16, %and3A_27, %parallel_loop3A_287], %parallel_loop3A_293 : memref<8x8x129xf32, #tpu.memory_space<vmem>>[vector<16xi32>, vector<16xi32>, vector<16xi32>], vector<16xf32>,
        %parallel_loop3A_294 = arith.index_cast %parallel_loop3A_286 : i32 to index
        %parallel_loop3A_295 = arith.constant 16 : index
        %parallel_loop3A_296 = tpu.vector_load %arg8[%parallel_loop3A_294, %parallel_loop3A_295] {strides = array<i32>} : memref<128x128xf32, #tpu.memory_space<vmem>>, vector<16xf32>,
        %parallel_loop3A_297 = arith.constant 8.000000e+00 : f32
        %parallel_loop3A_298 = vector.broadcast %parallel_loop3A_297 : f32 to vector<16xf32>
        %parallel_loop3A_299 = arith.mulf %parallel_loop3A_296, %parallel_loop3A_298 : vector<16xf32>
        tpu.vector_store_idx %arg12[%shift_right_logical3A_19, %and3A_30, %parallel_loop3A_287], %parallel_loop3A_299 : memref<8x8x129xf32, #tpu.memory_space<vmem>>[vector<16xi32>, vector<16xi32>, vector<16xi32>], vector<16xf32>,
        %parallel_loop3A_300 = arith.index_cast %parallel_loop3A_286 : i32 to index
        %parallel_loop3A_301 = arith.constant 32 : index
        %parallel_loop3A_302 = tpu.vector_load %arg8[%parallel_loop3A_300, %parallel_loop3A_301] {strides = array<i32>} : memref<128x128xf32, #tpu.memory_space<vmem>>, vector<16xf32>,
        %parallel_loop3A_303 = arith.constant 8.000000e+00 : f32
        %parallel_loop3A_304 = vector.broadcast %parallel_loop3A_303 : f32 to vector<16xf32>
        %parallel_loop3A_305 = arith.mulf %parallel_loop3A_302, %parallel_loop3A_304 : vector<16xf32>
        tpu.vector_store_idx %arg12[%shift_right_logical3A_22, %and3A_33, %parallel_loop3A_287], %parallel_loop3A_305 : memref<8x8x129xf32, #tpu.memory_space<vmem>>[vector<16xi32>, vector<16xi32>, vector<16xi32>], vector<16xf32>,
        %parallel_loop3A_306 = arith.index_cast %parallel_loop3A_286 : i32 to index
        %parallel_loop3A_307 = arith.constant 48 : index
        %parallel_loop3A_308 = tpu.vector_load %arg8[%parallel_loop3A_306, %parallel_loop3A_307] {strides = array<i32>} : memref<128x128xf32, #tpu.memory_space<vmem>>, vector<16xf32>,
        %parallel_loop3A_309 = arith.constant 8.000000e+00 : f32
        %parallel_loop3A_310 = vector.broadcast %parallel_loop3A_309 : f32 to vector<16xf32>
        %parallel_loop3A_311 = arith.mulf %parallel_loop3A_308, %parallel_loop3A_310 : vector<16xf32>
        tpu.vector_store_idx %arg12[%shift_right_logical3A_25, %and3A_36, %parallel_loop3A_287], %parallel_loop3A_311 : memref<8x8x129xf32, #tpu.memory_space<vmem>>[vector<16xi32>, vector<16xi32>, vector<16xi32>], vector<16xf32>,
      } {sc.loop_unroll_factor = 4 : i64, sc.parallel_access}
      %dma_start3A_223 = arith.constant 0 : i32
      %dma_start3A_224 = arith.constant 0 : i32
      %dma_start3A_225 = arith.constant 0 : i32
      %dma_start3A_226 = tpu.memref_slice %arg12[%dma_start3A_223, %dma_start3A_224, %dma_start3A_225] : memref<8x8x129xf32, #tpu.memory_space<vmem>> -> memref<8x8x128xf32, #tpu.memory_space<vmem>>
      %dma_start3A_227 = arith.constant 0 : i32
      %dma_start3A_228 = arith.constant 0 : i32
      %dma_start3A_229 = arith.constant 0 : i32
      %dma_start3A_230 = tpu.memref_slice %arg4[%add3A_213, %dma_start3A_227, %add3A, %dma_start3A_228, %dma_start3A_229] : memref<200x8x32x8x128xf32, #tpu.memory_space<hbm>> -> memref<1x8x1x8x128xf32, #tpu.memory_space<hbm>>
      %dma_start3A_231 = tpu.memref_squeeze %dma_start3A_230 : memref<1x8x1x8x128xf32, #tpu.memory_space<hbm>> -> memref<8x8x128xf32, #tpu.memory_space<hbm>>
      %dma_start3A_232 = arith.constant 0 : i32
      %dma_start3A_233 = arith.constant 0 : i32
      %dma_start3A_234 = arith.constant 0 : i32
      %dma_start3A_235 = tpu.memref_slice %arg4[%add3A_213, %dma_start3A_232, %add3A, %dma_start3A_233, %dma_start3A_234] : memref<200x8x32x8x128xf32, #tpu.memory_space<hbm>> -> memref<1x8x1x8x128xf32, #tpu.memory_space<hbm>>
      %dma_start3A_236 = tpu.memref_squeeze %dma_start3A_235 : memref<1x8x1x8x128xf32, #tpu.memory_space<hbm>> -> memref<8x8x128xf32, #tpu.memory_space<hbm>>
      %dma_start3A_237 = arith.constant 0 : i32
      %dma_start3A_238 = arith.constant 0 : i32
      %dma_start3A_239 = arith.constant 0 : i32
      %dma_start3A_240 = tpu.memref_slice %arg12[%dma_start3A_237, %dma_start3A_238, %dma_start3A_239] : memref<8x8x129xf32, #tpu.memory_space<vmem>> -> memref<8x8x128xf32, #tpu.memory_space<vmem>>
      tpu.enqueue_dma source(%dma_start3A_240 : memref<8x8x128xf32, #tpu.memory_space<vmem>>) target(%dma_start3A_236 : memref<8x8x128xf32, #tpu.memory_space<hbm>>) target_semaphore(%arg20 : memref<!tpu.dma_semaphore, #tpu.memory_space<semaphore_mem>>)
      %add3A_241 = arith.constant 3 : i32
      %add3A_242 = arith.addi %add3A_213, %add3A_241 : i32
      %lt3A_243 = arith.constant 200 : i32
      %lt3A_244 = arith.cmpi slt, %add3A_242, %lt3A_243 : i32
      %convert_element_type3A_245 = arith.extui %lt3A_244 : i1 to i32
      %cond3A_246 = arith.constant 0 : i32
      %cond3A_247 = arith.cmpi ne, %convert_element_type3A_245, %cond3A_246 : i32
      scf.if %cond3A_247 {
        %ge3A = arith.constant 1 : i32
        %ge3A_286 = arith.cmpi sge, %add3A_213, %ge3A : i32
        %convert_element_type3A_287 = arith.extui %ge3A_286 : i1 to i32
        %cond3A_288 = arith.constant 0 : i32
        %cond3A_289 = arith.cmpi ne, %convert_element_type3A_287, %cond3A_288 : i32
        scf.if %cond3A_289 {
          %sub3A = arith.constant 4 : i32
          %sub3A_296 = arith.subi %add3A_242, %sub3A : i32
          %dma_wait3A_297 = arith.constant 0 : i32
          %dma_wait3A_298 = arith.constant 0 : i32
          %dma_wait3A_299 = arith.constant 0 : i32
          %dma_wait3A_300 = tpu.memref_slice %arg11[%dma_wait3A_297, %dma_wait3A_298, %dma_wait3A_299] : memref<8x8x129xf32, #tpu.memory_space<vmem>> -> memref<8x8x128xf32, #tpu.memory_space<vmem>>
          %dma_wait3A_301 = arith.constant 0 : i32
          %dma_wait3A_302 = arith.constant 0 : i32
          %dma_wait3A_303 = arith.constant 0 : i32
          %dma_wait3A_304 = tpu.memref_slice %arg4[%sub3A_296, %dma_wait3A_301, %add3A, %dma_wait3A_302, %dma_wait3A_303] : memref<200x8x32x8x128xf32, #tpu.memory_space<hbm>> -> memref<1x8x1x8x128xf32, #tpu.memory_space<hbm>>
          %dma_wait3A_305 = tpu.memref_squeeze %dma_wait3A_304 : memref<1x8x1x8x128xf32, #tpu.memory_space<hbm>> -> memref<8x8x128xf32, #tpu.memory_space<hbm>>
          %dma_wait3A_306 = arith.constant 0 : i32
          %dma_wait3A_307 = arith.constant 0 : i32
          %dma_wait3A_308 = arith.constant 0 : i32
          %dma_wait3A_309 = tpu.memref_slice %arg4[%sub3A_296, %dma_wait3A_306, %add3A, %dma_wait3A_307, %dma_wait3A_308] : memref<200x8x32x8x128xf32, #tpu.memory_space<hbm>> -> memref<1x8x1x8x128xf32, #tpu.memory_space<hbm>>
          %dma_wait3A_310 = tpu.memref_squeeze %dma_wait3A_309 : memref<1x8x1x8x128xf32, #tpu.memory_space<hbm>> -> memref<8x8x128xf32, #tpu.memory_space<hbm>>
          %dma_wait3A_311 = arith.constant 0 : i32
          %dma_wait3A_312 = arith.constant 0 : i32
          %dma_wait3A_313 = arith.constant 0 : i32
          %dma_wait3A_314 = tpu.memref_slice %arg11[%dma_wait3A_311, %dma_wait3A_312, %dma_wait3A_313] : memref<8x8x129xf32, #tpu.memory_space<vmem>> -> memref<8x8x128xf32, #tpu.memory_space<vmem>>
          tpu.wait_dma2 semaphore(%arg19 : memref<!tpu.dma_semaphore, #tpu.memory_space<semaphore_mem>>) src(%dma_wait3A_314 : memref<8x8x128xf32, #tpu.memory_space<vmem>>) dst(%dma_wait3A_310 : memref<8x8x128xf32, #tpu.memory_space<hbm>>)
        } else {
        }
        %dma_start3A_290 = arith.constant 0 : i32
        %dma_start3A_291 = tpu.memref_slice %arg5[%add3A_242, %dma_start3A_290] : memref<200x128xi32, #tpu.memory_space<vmem>> -> memref<1x128xi32, #tpu.memory_space<vmem>>
        %dma_start3A_292 = tpu.memref_squeeze %dma_start3A_291 : memref<1x128xi32, #tpu.memory_space<vmem>> -> memref<128xi32, #tpu.memory_space<vmem>>
        %dma_start3A_293 = arith.constant 0 : i32
        %dma_start3A_294 = arith.constant 0 : i32
        %dma_start3A_295 = tpu.memref_slice %arg3[%dma_start3A_293, %dma_start3A_294] : memref<1000000x128xf32, #tpu.memory_space<hbm>> -> memref<1000000x128xf32, #tpu.memory_space<hbm>>
        tpu.enqueue_indirect_dma source(%dma_start3A_295 : memref<1000000x128xf32, #tpu.memory_space<hbm>>) target(%arg7 : memref<128x128xf32, #tpu.memory_space<vmem>>) offsets(%dma_start3A_292 : memref<128xi32, #tpu.memory_space<vmem>>) semaphore(%arg15 : memref<!tpu.dma_semaphore, #tpu.memory_space<semaphore_mem>>)
      } else {
      }
      %mul3A_248 = arith.constant 4 : i32
      %mul3A_249 = arith.muli %scan3A_137, %mul3A_248 : i32
      %add3A_250 = arith.constant 3 : i32
      %add3A_251 = arith.addi %mul3A_249, %add3A_250 : i32
      %dma_wait3A_252 = arith.constant 0 : i32
      %dma_wait3A_253 = tpu.memref_slice %arg5[%add3A_251, %dma_wait3A_252] : memref<200x128xi32, #tpu.memory_space<vmem>> -> memref<1x128xi32, #tpu.memory_space<vmem>>
      %dma_wait3A_254 = tpu.memref_squeeze %dma_wait3A_253 : memref<1x128xi32, #tpu.memory_space<vmem>> -> memref<128xi32, #tpu.memory_space<vmem>>
      %dma_wait3A_255 = arith.constant 0 : i32
      %dma_wait3A_256 = arith.constant 0 : i32
      %dma_wait3A_257 = tpu.memref_slice %arg3[%dma_wait3A_255, %dma_wait3A_256] : memref<1000000x128xf32, #tpu.memory_space<hbm>> -> memref<1000000x128xf32, #tpu.memory_space<hbm>>
      tpu.wait_indirect_dma semaphore(%arg17 : memref<!tpu.dma_semaphore, #tpu.memory_space<semaphore_mem>>) src(%dma_wait3A_257 : memref<1000000x128xf32, #tpu.memory_space<hbm>>) dst(%arg9 : memref<128x128xf32, #tpu.memory_space<vmem>>)
      %parallel_loop3A_258 = arith.constant 0 : i32
      %parallel_loop3A_259 = arith.constant 128 : i32
      %parallel_loop3A_260 = arith.constant 1 : i32
      scf.for %parallel_loop3A_286 = %parallel_loop3A_258 to %parallel_loop3A_259 step %parallel_loop3A_260  : i32 {
        %parallel_loop3A_287 = vector.broadcast %parallel_loop3A_286 : i32 to vector<16xi32>
        %parallel_loop3A_288 = arith.index_cast %parallel_loop3A_286 : i32 to index
        %parallel_loop3A_289 = arith.constant 0 : index
        %parallel_loop3A_290 = tpu.vector_load %arg9[%parallel_loop3A_288, %parallel_loop3A_289] {strides = array<i32>} : memref<128x128xf32, #tpu.memory_space<vmem>>, vector<16xf32>,
        %parallel_loop3A_291 = arith.constant 8.000000e+00 : f32
        %parallel_loop3A_292 = vector.broadcast %parallel_loop3A_291 : f32 to vector<16xf32>
        %parallel_loop3A_293 = arith.mulf %parallel_loop3A_290, %parallel_loop3A_292 : vector<16xf32>
        tpu.vector_store_idx %arg13[%shift_right_logical3A_16, %and3A_27, %parallel_loop3A_287], %parallel_loop3A_293 : memref<8x8x129xf32, #tpu.memory_space<vmem>>[vector<16xi32>, vector<16xi32>, vector<16xi32>], vector<16xf32>,
        %parallel_loop3A_294 = arith.index_cast %parallel_loop3A_286 : i32 to index
        %parallel_loop3A_295 = arith.constant 16 : index
        %parallel_loop3A_296 = tpu.vector_load %arg9[%parallel_loop3A_294, %parallel_loop3A_295] {strides = array<i32>} : memref<128x128xf32, #tpu.memory_space<vmem>>, vector<16xf32>,
        %parallel_loop3A_297 = arith.constant 8.000000e+00 : f32
        %parallel_loop3A_298 = vector.broadcast %parallel_loop3A_297 : f32 to vector<16xf32>
        %parallel_loop3A_299 = arith.mulf %parallel_loop3A_296, %parallel_loop3A_298 : vector<16xf32>
        tpu.vector_store_idx %arg13[%shift_right_logical3A_19, %and3A_30, %parallel_loop3A_287], %parallel_loop3A_299 : memref<8x8x129xf32, #tpu.memory_space<vmem>>[vector<16xi32>, vector<16xi32>, vector<16xi32>], vector<16xf32>,
        %parallel_loop3A_300 = arith.index_cast %parallel_loop3A_286 : i32 to index
        %parallel_loop3A_301 = arith.constant 32 : index
        %parallel_loop3A_302 = tpu.vector_load %arg9[%parallel_loop3A_300, %parallel_loop3A_301] {strides = array<i32>} : memref<128x128xf32, #tpu.memory_space<vmem>>, vector<16xf32>,
        %parallel_loop3A_303 = arith.constant 8.000000e+00 : f32
        %parallel_loop3A_304 = vector.broadcast %parallel_loop3A_303 : f32 to vector<16xf32>
        %parallel_loop3A_305 = arith.mulf %parallel_loop3A_302, %parallel_loop3A_304 : vector<16xf32>
        tpu.vector_store_idx %arg13[%shift_right_logical3A_22, %and3A_33, %parallel_loop3A_287], %parallel_loop3A_305 : memref<8x8x129xf32, #tpu.memory_space<vmem>>[vector<16xi32>, vector<16xi32>, vector<16xi32>], vector<16xf32>,
        %parallel_loop3A_306 = arith.index_cast %parallel_loop3A_286 : i32 to index
        %parallel_loop3A_307 = arith.constant 48 : index
        %parallel_loop3A_308 = tpu.vector_load %arg9[%parallel_loop3A_306, %parallel_loop3A_307] {strides = array<i32>} : memref<128x128xf32, #tpu.memory_space<vmem>>, vector<16xf32>,
        %parallel_loop3A_309 = arith.constant 8.000000e+00 : f32
        %parallel_loop3A_310 = vector.broadcast %parallel_loop3A_309 : f32 to vector<16xf32>
        %parallel_loop3A_311 = arith.mulf %parallel_loop3A_308, %parallel_loop3A_310 : vector<16xf32>
        tpu.vector_store_idx %arg13[%shift_right_logical3A_25, %and3A_36, %parallel_loop3A_287], %parallel_loop3A_311 : memref<8x8x129xf32, #tpu.memory_space<vmem>>[vector<16xi32>, vector<16xi32>, vector<16xi32>], vector<16xf32>,
      } {sc.loop_unroll_factor = 4 : i64, sc.parallel_access}
      %dma_start3A_261 = arith.constant 0 : i32
      %dma_start3A_262 = arith.constant 0 : i32
      %dma_start3A_263 = arith.constant 0 : i32
      %dma_start3A_264 = tpu.memref_slice %arg13[%dma_start3A_261, %dma_start3A_262, %dma_start3A_263] : memref<8x8x129xf32, #tpu.memory_space<vmem>> -> memref<8x8x128xf32, #tpu.memory_space<vmem>>
      %dma_start3A_265 = arith.constant 0 : i32
      %dma_start3A_266 = arith.constant 0 : i32
      %dma_start3A_267 = arith.constant 0 : i32
      %dma_start3A_268 = tpu.memref_slice %arg4[%add3A_251, %dma_start3A_265, %add3A, %dma_start3A_266, %dma_start3A_267] : memref<200x8x32x8x128xf32, #tpu.memory_space<hbm>> -> memref<1x8x1x8x128xf32, #tpu.memory_space<hbm>>
      %dma_start3A_269 = tpu.memref_squeeze %dma_start3A_268 : memref<1x8x1x8x128xf32, #tpu.memory_space<hbm>> -> memref<8x8x128xf32, #tpu.memory_space<hbm>>
      %dma_start3A_270 = arith.constant 0 : i32
      %dma_start3A_271 = arith.constant 0 : i32
      %dma_start3A_272 = arith.constant 0 : i32
      %dma_start3A_273 = tpu.memref_slice %arg4[%add3A_251, %dma_start3A_270, %add3A, %dma_start3A_271, %dma_start3A_272] : memref<200x8x32x8x128xf32, #tpu.memory_space<hbm>> -> memref<1x8x1x8x128xf32, #tpu.memory_space<hbm>>
      %dma_start3A_274 = tpu.memref_squeeze %dma_start3A_273 : memref<1x8x1x8x128xf32, #tpu.memory_space<hbm>> -> memref<8x8x128xf32, #tpu.memory_space<hbm>>
      %dma_start3A_275 = arith.constant 0 : i32
      %dma_start3A_276 = arith.constant 0 : i32
      %dma_start3A_277 = arith.constant 0 : i32
      %dma_start3A_278 = tpu.memref_slice %arg13[%dma_start3A_275, %dma_start3A_276, %dma_start3A_277] : memref<8x8x129xf32, #tpu.memory_space<vmem>> -> memref<8x8x128xf32, #tpu.memory_space<vmem>>
      tpu.enqueue_dma source(%dma_start3A_278 : memref<8x8x128xf32, #tpu.memory_space<vmem>>) target(%dma_start3A_274 : memref<8x8x128xf32, #tpu.memory_space<hbm>>) target_semaphore(%arg21 : memref<!tpu.dma_semaphore, #tpu.memory_space<semaphore_mem>>)
      %add3A_279 = arith.constant 3 : i32
      %add3A_280 = arith.addi %add3A_251, %add3A_279 : i32
      %lt3A_281 = arith.constant 200 : i32
      %lt3A_282 = arith.cmpi slt, %add3A_280, %lt3A_281 : i32
      %convert_element_type3A_283 = arith.extui %lt3A_282 : i1 to i32
      %cond3A_284 = arith.constant 0 : i32
      %cond3A_285 = arith.cmpi ne, %convert_element_type3A_283, %cond3A_284 : i32
      scf.if %cond3A_285 {
        %ge3A = arith.constant 1 : i32
        %ge3A_286 = arith.cmpi sge, %add3A_251, %ge3A : i32
        %convert_element_type3A_287 = arith.extui %ge3A_286 : i1 to i32
        %cond3A_288 = arith.constant 0 : i32
        %cond3A_289 = arith.cmpi ne, %convert_element_type3A_287, %cond3A_288 : i32
        scf.if %cond3A_289 {
          %sub3A = arith.constant 4 : i32
          %sub3A_296 = arith.subi %add3A_280, %sub3A : i32
          %dma_wait3A_297 = arith.constant 0 : i32
          %dma_wait3A_298 = arith.constant 0 : i32
          %dma_wait3A_299 = arith.constant 0 : i32
          %dma_wait3A_300 = tpu.memref_slice %arg12[%dma_wait3A_297, %dma_wait3A_298, %dma_wait3A_299] : memref<8x8x129xf32, #tpu.memory_space<vmem>> -> memref<8x8x128xf32, #tpu.memory_space<vmem>>
          %dma_wait3A_301 = arith.constant 0 : i32
          %dma_wait3A_302 = arith.constant 0 : i32
          %dma_wait3A_303 = arith.constant 0 : i32
          %dma_wait3A_304 = tpu.memref_slice %arg4[%sub3A_296, %dma_wait3A_301, %add3A, %dma_wait3A_302, %dma_wait3A_303] : memref<200x8x32x8x128xf32, #tpu.memory_space<hbm>> -> memref<1x8x1x8x128xf32, #tpu.memory_space<hbm>>
          %dma_wait3A_305 = tpu.memref_squeeze %dma_wait3A_304 : memref<1x8x1x8x128xf32, #tpu.memory_space<hbm>> -> memref<8x8x128xf32, #tpu.memory_space<hbm>>
          %dma_wait3A_306 = arith.constant 0 : i32
          %dma_wait3A_307 = arith.constant 0 : i32
          %dma_wait3A_308 = arith.constant 0 : i32
          %dma_wait3A_309 = tpu.memref_slice %arg4[%sub3A_296, %dma_wait3A_306, %add3A, %dma_wait3A_307, %dma_wait3A_308] : memref<200x8x32x8x128xf32, #tpu.memory_space<hbm>> -> memref<1x8x1x8x128xf32, #tpu.memory_space<hbm>>
          %dma_wait3A_310 = tpu.memref_squeeze %dma_wait3A_309 : memref<1x8x1x8x128xf32, #tpu.memory_space<hbm>> -> memref<8x8x128xf32, #tpu.memory_space<hbm>>
          %dma_wait3A_311 = arith.constant 0 : i32
          %dma_wait3A_312 = arith.constant 0 : i32
          %dma_wait3A_313 = arith.constant 0 : i32
          %dma_wait3A_314 = tpu.memref_slice %arg12[%dma_wait3A_311, %dma_wait3A_312, %dma_wait3A_313] : memref<8x8x129xf32, #tpu.memory_space<vmem>> -> memref<8x8x128xf32, #tpu.memory_space<vmem>>
          tpu.wait_dma2 semaphore(%arg20 : memref<!tpu.dma_semaphore, #tpu.memory_space<semaphore_mem>>) src(%dma_wait3A_314 : memref<8x8x128xf32, #tpu.memory_space<vmem>>) dst(%dma_wait3A_310 : memref<8x8x128xf32, #tpu.memory_space<hbm>>)
        } else {
        }
        %dma_start3A_290 = arith.constant 0 : i32
        %dma_start3A_291 = tpu.memref_slice %arg5[%add3A_280, %dma_start3A_290] : memref<200x128xi32, #tpu.memory_space<vmem>> -> memref<1x128xi32, #tpu.memory_space<vmem>>
        %dma_start3A_292 = tpu.memref_squeeze %dma_start3A_291 : memref<1x128xi32, #tpu.memory_space<vmem>> -> memref<128xi32, #tpu.memory_space<vmem>>
        %dma_start3A_293 = arith.constant 0 : i32
        %dma_start3A_294 = arith.constant 0 : i32
        %dma_start3A_295 = tpu.memref_slice %arg3[%dma_start3A_293, %dma_start3A_294] : memref<1000000x128xf32, #tpu.memory_space<hbm>> -> memref<1000000x128xf32, #tpu.memory_space<hbm>>
        tpu.enqueue_indirect_dma source(%dma_start3A_295 : memref<1000000x128xf32, #tpu.memory_space<hbm>>) target(%arg8 : memref<128x128xf32, #tpu.memory_space<vmem>>) offsets(%dma_start3A_292 : memref<128xi32, #tpu.memory_space<vmem>>) semaphore(%arg16 : memref<!tpu.dma_semaphore, #tpu.memory_space<semaphore_mem>>)
      } else {
      }
    }
    %scan3A_61 = arith.constant 50 : i32
    %dma_wait3A = arith.constant 196 : i32
    %dma_wait3A_62 = arith.constant 0 : i32
    %dma_wait3A_63 = arith.constant 0 : i32
    %dma_wait3A_64 = arith.constant 0 : i32
    %dma_wait3A_65 = tpu.memref_slice %arg10[%dma_wait3A_62, %dma_wait3A_63, %dma_wait3A_64] : memref<8x8x129xf32, #tpu.memory_space<vmem>> -> memref<8x8x128xf32, #tpu.memory_space<vmem>>
    %dma_wait3A_66 = arith.constant 0 : i32
    %dma_wait3A_67 = arith.constant 0 : i32
    %dma_wait3A_68 = arith.constant 0 : i32
    %dma_wait3A_69 = tpu.memref_slice %arg4[%dma_wait3A, %dma_wait3A_66, %add3A, %dma_wait3A_67, %dma_wait3A_68] : memref<200x8x32x8x128xf32, #tpu.memory_space<hbm>> -> memref<1x8x1x8x128xf32, #tpu.memory_space<hbm>>
    %dma_wait3A_70 = tpu.memref_squeeze %dma_wait3A_69 : memref<1x8x1x8x128xf32, #tpu.memory_space<hbm>> -> memref<8x8x128xf32, #tpu.memory_space<hbm>>
    %dma_wait3A_71 = arith.constant 0 : i32
    %dma_wait3A_72 = arith.constant 0 : i32
    %dma_wait3A_73 = arith.constant 0 : i32
    %dma_wait3A_74 = tpu.memref_slice %arg4[%dma_wait3A, %dma_wait3A_71, %add3A, %dma_wait3A_72, %dma_wait3A_73] : memref<200x8x32x8x128xf32, #tpu.memory_space<hbm>> -> memref<1x8x1x8x128xf32, #tpu.memory_space<hbm>>
    %dma_wait3A_75 = tpu.memref_squeeze %dma_wait3A_74 : memref<1x8x1x8x128xf32, #tpu.memory_space<hbm>> -> memref<8x8x128xf32, #tpu.memory_space<hbm>>
    %dma_wait3A_76 = arith.constant 0 : i32
    %dma_wait3A_77 = arith.constant 0 : i32
    %dma_wait3A_78 = arith.constant 0 : i32
    %dma_wait3A_79 = tpu.memref_slice %arg10[%dma_wait3A_76, %dma_wait3A_77, %dma_wait3A_78] : memref<8x8x129xf32, #tpu.memory_space<vmem>> -> memref<8x8x128xf32, #tpu.memory_space<vmem>>
    tpu.wait_dma2 semaphore(%arg18 : memref<!tpu.dma_semaphore, #tpu.memory_space<semaphore_mem>>) src(%dma_wait3A_79 : memref<8x8x128xf32, #tpu.memory_space<vmem>>) dst(%dma_wait3A_75 : memref<8x8x128xf32, #tpu.memory_space<hbm>>)
    %dma_wait3A_80 = arith.constant 197 : i32
    %dma_wait3A_81 = arith.constant 0 : i32
    %dma_wait3A_82 = arith.constant 0 : i32
    %dma_wait3A_83 = arith.constant 0 : i32
    %dma_wait3A_84 = tpu.memref_slice %arg11[%dma_wait3A_81, %dma_wait3A_82, %dma_wait3A_83] : memref<8x8x129xf32, #tpu.memory_space<vmem>> -> memref<8x8x128xf32, #tpu.memory_space<vmem>>
    %dma_wait3A_85 = arith.constant 0 : i32
    %dma_wait3A_86 = arith.constant 0 : i32
    %dma_wait3A_87 = arith.constant 0 : i32
    %dma_wait3A_88 = tpu.memref_slice %arg4[%dma_wait3A_80, %dma_wait3A_85, %add3A, %dma_wait3A_86, %dma_wait3A_87] : memref<200x8x32x8x128xf32, #tpu.memory_space<hbm>> -> memref<1x8x1x8x128xf32, #tpu.memory_space<hbm>>
    %dma_wait3A_89 = tpu.memref_squeeze %dma_wait3A_88 : memref<1x8x1x8x128xf32, #tpu.memory_space<hbm>> -> memref<8x8x128xf32, #tpu.memory_space<hbm>>
    %dma_wait3A_90 = arith.constant 0 : i32
    %dma_wait3A_91 = arith.constant 0 : i32
    %dma_wait3A_92 = arith.constant 0 : i32
    %dma_wait3A_93 = tpu.memref_slice %arg4[%dma_wait3A_80, %dma_wait3A_90, %add3A, %dma_wait3A_91, %dma_wait3A_92] : memref<200x8x32x8x128xf32, #tpu.memory_space<hbm>> -> memref<1x8x1x8x128xf32, #tpu.memory_space<hbm>>
    %dma_wait3A_94 = tpu.memref_squeeze %dma_wait3A_93 : memref<1x8x1x8x128xf32, #tpu.memory_space<hbm>> -> memref<8x8x128xf32, #tpu.memory_space<hbm>>
    %dma_wait3A_95 = arith.constant 0 : i32
    %dma_wait3A_96 = arith.constant 0 : i32
    %dma_wait3A_97 = arith.constant 0 : i32
    %dma_wait3A_98 = tpu.memref_slice %arg11[%dma_wait3A_95, %dma_wait3A_96, %dma_wait3A_97] : memref<8x8x129xf32, #tpu.memory_space<vmem>> -> memref<8x8x128xf32, #tpu.memory_space<vmem>>
    tpu.wait_dma2 semaphore(%arg19 : memref<!tpu.dma_semaphore, #tpu.memory_space<semaphore_mem>>) src(%dma_wait3A_98 : memref<8x8x128xf32, #tpu.memory_space<vmem>>) dst(%dma_wait3A_94 : memref<8x8x128xf32, #tpu.memory_space<hbm>>)
    %dma_wait3A_99 = arith.constant 198 : i32
    %dma_wait3A_100 = arith.constant 0 : i32
    %dma_wait3A_101 = arith.constant 0 : i32
    %dma_wait3A_102 = arith.constant 0 : i32
    %dma_wait3A_103 = tpu.memref_slice %arg12[%dma_wait3A_100, %dma_wait3A_101, %dma_wait3A_102] : memref<8x8x129xf32, #tpu.memory_space<vmem>> -> memref<8x8x128xf32, #tpu.memory_space<vmem>>
    %dma_wait3A_104 = arith.constant 0 : i32
    %dma_wait3A_105 = arith.constant 0 : i32
    %dma_wait3A_106 = arith.constant 0 : i32
    %dma_wait3A_107 = tpu.memref_slice %arg4[%dma_wait3A_99, %dma_wait3A_104, %add3A, %dma_wait3A_105, %dma_wait3A_106] : memref<200x8x32x8x128xf32, #tpu.memory_space<hbm>> -> memref<1x8x1x8x128xf32, #tpu.memory_space<hbm>>
    %dma_wait3A_108 = tpu.memref_squeeze %dma_wait3A_107 : memref<1x8x1x8x128xf32, #tpu.memory_space<hbm>> -> memref<8x8x128xf32, #tpu.memory_space<hbm>>
    %dma_wait3A_109 = arith.constant 0 : i32
    %dma_wait3A_110 = arith.constant 0 : i32
    %dma_wait3A_111 = arith.constant 0 : i32
    %dma_wait3A_112 = tpu.memref_slice %arg4[%dma_wait3A_99, %dma_wait3A_109, %add3A, %dma_wait3A_110, %dma_wait3A_111] : memref<200x8x32x8x128xf32, #tpu.memory_space<hbm>> -> memref<1x8x1x8x128xf32, #tpu.memory_space<hbm>>
    %dma_wait3A_113 = tpu.memref_squeeze %dma_wait3A_112 : memref<1x8x1x8x128xf32, #tpu.memory_space<hbm>> -> memref<8x8x128xf32, #tpu.memory_space<hbm>>
    %dma_wait3A_114 = arith.constant 0 : i32
    %dma_wait3A_115 = arith.constant 0 : i32
    %dma_wait3A_116 = arith.constant 0 : i32
    %dma_wait3A_117 = tpu.memref_slice %arg12[%dma_wait3A_114, %dma_wait3A_115, %dma_wait3A_116] : memref<8x8x129xf32, #tpu.memory_space<vmem>> -> memref<8x8x128xf32, #tpu.memory_space<vmem>>
    tpu.wait_dma2 semaphore(%arg20 : memref<!tpu.dma_semaphore, #tpu.memory_space<semaphore_mem>>) src(%dma_wait3A_117 : memref<8x8x128xf32, #tpu.memory_space<vmem>>) dst(%dma_wait3A_113 : memref<8x8x128xf32, #tpu.memory_space<hbm>>)
    %dma_wait3A_118 = arith.constant 199 : i32
    %dma_wait3A_119 = arith.constant 0 : i32
    %dma_wait3A_120 = arith.constant 0 : i32
    %dma_wait3A_121 = arith.constant 0 : i32
    %dma_wait3A_122 = tpu.memref_slice %arg13[%dma_wait3A_119, %dma_wait3A_120, %dma_wait3A_121] : memref<8x8x129xf32, #tpu.memory_space<vmem>> -> memref<8x8x128xf32, #tpu.memory_space<vmem>>
    %dma_wait3A_123 = arith.constant 0 : i32
    %dma_wait3A_124 = arith.constant 0 : i32
    %dma_wait3A_125 = arith.constant 0 : i32
    %dma_wait3A_126 = tpu.memref_slice %arg4[%dma_wait3A_118, %dma_wait3A_123, %add3A, %dma_wait3A_124, %dma_wait3A_125] : memref<200x8x32x8x128xf32, #tpu.memory_space<hbm>> -> memref<1x8x1x8x128xf32, #tpu.memory_space<hbm>>
    %dma_wait3A_127 = tpu.memref_squeeze %dma_wait3A_126 : memref<1x8x1x8x128xf32, #tpu.memory_space<hbm>> -> memref<8x8x128xf32, #tpu.memory_space<hbm>>
    %dma_wait3A_128 = arith.constant 0 : i32
    %dma_wait3A_129 = arith.constant 0 : i32
    %dma_wait3A_130 = arith.constant 0 : i32
    %dma_wait3A_131 = tpu.memref_slice %arg4[%dma_wait3A_118, %dma_wait3A_128, %add3A, %dma_wait3A_129, %dma_wait3A_130] : memref<200x8x32x8x128xf32, #tpu.memory_space<hbm>> -> memref<1x8x1x8x128xf32, #tpu.memory_space<hbm>>
    %dma_wait3A_132 = tpu.memref_squeeze %dma_wait3A_131 : memref<1x8x1x8x128xf32, #tpu.memory_space<hbm>> -> memref<8x8x128xf32, #tpu.memory_space<hbm>>
    %dma_wait3A_133 = arith.constant 0 : i32
    %dma_wait3A_134 = arith.constant 0 : i32
    %dma_wait3A_135 = arith.constant 0 : i32
    %dma_wait3A_136 = tpu.memref_slice %arg13[%dma_wait3A_133, %dma_wait3A_134, %dma_wait3A_135] : memref<8x8x129xf32, #tpu.memory_space<vmem>> -> memref<8x8x128xf32, #tpu.memory_space<vmem>>
    tpu.wait_dma2 semaphore(%arg21 : memref<!tpu.dma_semaphore, #tpu.memory_space<semaphore_mem>>) src(%dma_wait3A_136 : memref<8x8x128xf32, #tpu.memory_space<vmem>>) dst(%dma_wait3A_132 : memref<8x8x128xf32, #tpu.memory_space<hbm>>)
    return
  }
}

module attributes {stable_mosaic.version = 14 : i64} {
  func.func @body(%arg0: i32, %arg1: memref<64x4096xf32, #tpu.memory_space<vmem>>, %arg2: memref<4096x128xf32, #tpu.memory_space<vmem>>) attributes {dimension_semantics = [#tpu.dimension_semantics<arbitrary>], iteration_bounds = array<i64: 245>, scalar_prefetch = 0 : i64, scratch_operands = 0 : i64, tpu.core_type = #tpu.core_type<tc>, window_params = [{transform_indices = @transform_0, window_bounds = array<i64: 64, 4096>}, {transform_indices = @transform_1, window_bounds = array<i64: 4096, 128>}]} {
    %get3A = arith.constant 0 : index
    %get3A_0 = arith.constant 0 : index
    %get3A_1 = vector.load %arg1[%get3A, %get3A_0] : memref<64x4096xf32, #tpu.memory_space<vmem>>, vector<64x4096xf32>
    %transpose3A = tpu.transpose %get3A_1, [1, 0] : vector<64x4096xf32> -> vector<4096x64xf32>
    %swap3A = arith.constant 0 : index
    %swap3A_2 = arith.constant 0 : index
    %swap3A_3 = vector.load %arg2[%swap3A, %swap3A_2] : memref<4096x128xf32, #tpu.memory_space<vmem>>, vector<4096x64xf32>
    tpu.vector_store %arg2[%swap3A, %swap3A_2], %transpose3A {strides = array<i32>} : memref<4096x128xf32, #tpu.memory_space<vmem>>, vector<4096x64xf32>,
    return
  }
  func.func @transform_0(%arg0: i32) -> (i32, i32) {
    %c0_i32 = arith.constant 0 : i32
    %c0_i32_0 = arith.constant 0 : i32
    return %c0_i32, %arg0 : i32, i32
  }
  func.func @transform_1(%arg0: i32) -> (i32, i32) {
    %c0_i32 = arith.constant 0 : i32
    %c0_i32_0 = arith.constant 0 : i32
    return %arg0, %c0_i32 : i32, i32
  }
}

</mosaic_0001>

<sc_bundles>
// kernel: kernel.4.cloned.1.call-start
scs
__scs_entry_jumppad:
0x0: {  	(pc) =	sbr.rel $0x88, $3  }
0x1: {  	(tag) =	ssettag $0x0;
	lr =	simm.s32 $0x1  }
0x2: {  	[smem:$0x3F9F] =	sst lr;
	_ =	strace $0xD0000000  }
0x3: {  	_ = 	snop  }
0x4: {  	_ = 	snop  }
0x5: {  	_ = 	snop  }
0x6: {  	_ = 	snop  }
0x7: {  	_ = 	snop  }
__scs_overlays_trampoline_lowered:
0x8: {  	[smem:$0x3FAE] =	sst s0  }
0x9: {  	[smem:$0x3FAF] =	sst s1  }
0xa: {  	[smem:$0x3FB0] =	sst s2  }
0xb: {  	[smem:$0x3FB1] =	sst s3  }
0xc: {  	[smem:$0x3FB2] =	sst s4  }
0xd: {  	[smem:$0x3FB3] =	sst s5  }
0xe: {  	[smem:$0x3FB4] =	sst s6  }
0xf: {  	[smem:$0x3FB5] =	sst s7  }
0x10: {  	[smem:$0x3FB6] =	sst s8  }
0x11: {  	[smem:$0x3FB7] =	sst s9;
	s0 =	simm.s32 @!p0 $0x0  }
0x12: {  	s1 =	sld [smem:$0x3F9D];
	s0 =	simm.s32 @p0 $0x1  }
0x13: {  	[smem:$0x3FB8] =	sst s0;
	s0 =	simm.s32 @!p1 $0x0  }
0x14: {  	s2 =	sld [smem:$0x3F9C];
	s0 =	simm.s32 @p1 $0x1  }
0x15: {  	[smem:$0x3FB9] =	sst s0;
	s0 =	simm.s32 @!p2 $0x0  }
0x16: {  	s3 =	sld [smem:$0x3FDB];
	s0 =	simm.s32 @p2 $0x1  }
0x17: {  	s4 =	simm.s32 $0x1BF5;
	[smem:$0x3FBB] =	sst s0  }
0x18: {  	s0 =	sld [smem:$0x3F9E];
	_ =	swait.ge [sflag:s4], $0x0  }
0x19: {  	s7 =	sld [smem:$0x3F9F]  }
0x1a: {  	s8 =	sadd.s32 $0xFFFFE003, lr  }
0x1b: {  	s9 =	sadd.s32 $0xFFFFFEF7, lr;
	s5 =	simm.s32 $0xFFFFFFFF;
	p2 =	slt.u32 s8, $0xFFFFF086  }
0x1c: {  	p1 =	slt.u32 s9, $0xF7A;
	s5 =	simm.s32 @!p2 $0x0  }
0x1d: {  	s5 =	simm.s32 @p1 $0x1;
	p0 =	seq.s32 s7, s2  }
0x1e: {  	s7 =	smul.u32 @!p0 $0xF7A, s2;
	p2 =	seq.s32 @!p0 s5, $0x0  }
0x1f: {  	s9 =	smul.u32 $0xF7A, s1;
	s8 =	simm.s32 @!p0 $0x1BF5;
	p2 =	por !p2, p0  }
0x20: {  	[sflag:s8] =	ssyncset.s32 @!p0 $0xFFFFF086;
	s6 =	sadd.s32 @!p0 s3, s7;
	s7 =	simm.s32 @!p0 $0x108  }
0x21: {  	s3 =	sadd.s32 s3, s9;
	s6 =	sadd.s32 @!p0 $0x88, s6;
	s7 =	simm.s32 @p2 $0x1082  }
0x22: {  	[simem:s7], [sflag:s8] =	dma.local @!p0 [hbm:s6], $0xF7A  }
0x23: {  	s9 =	sor.u32 $0xD0000000, s2;
	s6 =	simm.s32 $0x108;
	_ =	swait.ge @!p0 [sflag:s8], $0x0  }
0x24: {  	s3 =	sadd.s32 $0x88, s3;
	s6 =	simm.s32 @!p1 $0x1082;
	[sflag:s4] =	ssyncset.s32 $0xFFFFF086  }
0x25: {  	[simem:s6], [sflag:s4] =	dma.local [hbm:s3], $0xF7A  }
0x26: {  	[smem:$0x3F9F] =	sst s1;
	(tag) =	ssettag s2;
	_ =	strace s9  }
0x27: {  	s1 =	sld [smem:$0x3FAF]  }
0x28: {  	s2 =	sld [smem:$0x3FB0]  }
0x29: {  	s4 =	sld [smem:$0x3FB2]  }
0x2a: {  	p0 =	seq.s32 s5, $0x0;
	s5 =	sld [smem:$0x3FB3]  }
0x2b: {  	s6 =	sld [smem:$0x3FB4]  }
0x2c: {  	s7 =	sld [smem:$0x3FB5]  }
0x2d: {  	s3 =	simm.s32 $0x108;
	s8 =	sld [smem:$0x3FB6]  }
0x2e: {  	s3 =	simm.s32 @!p0 $0x1082;
	s9 =	sld [smem:$0x3FB7]  }
0x2f: {  	lr =	sadd.s32 s0, s3;
	s0 =	sld [smem:$0x3FAE]  }
0x30: {  	s3 =	sld [smem:$0x3FB1]  }
0x31: {  	[smem:$0x3FBA] =	sst s10  }
0x32: {  	s10 =	sld [smem:$0x3FB8];
	_ =	sdelay $0x3  }
0x33: {  	p0 =	seq.s32 s10, $0x1;
	s10 =	sld [smem:$0x3FBA];
	_ =	sdelay $0x3  }
0x34: {  	[smem:$0x3FBA] =	sst s10  }
0x35: {  	s10 =	sld [smem:$0x3FB9];
	_ =	sdelay $0x3  }
0x36: {  	p1 =	seq.s32 s10, $0x1;
	s10 =	sld [smem:$0x3FBA];
	_ =	sdelay $0x3  }
0x37: {  	[smem:$0x3FBA] =	sst s10  }
0x38: {  	s10 =	sld [smem:$0x3FBB]  }
0x39: {  	_ = 	snop;
	(pc) =	sbr.ind lr, $3  }
0x3a: {  	_ = 	snop  }
0x3b: {  	_ = 	snop  }
0x3c: {  	p2 =	seq.s32 s10, $0x1;
	s10 =	sld [smem:$0x3FBA]  }
0x3d: {  	_ =	shalt  }
0x3e: {  	_ =	shalt  }
0x3f: {  	_ =	shalt  }
0x40: {  	_ =	shalt  }
0x41: {  	_ =	shalt  }
0x42: {  	_ =	shalt  }
0x43: {  	_ =	shalt  }
0x44: {  	_ =	shalt  }
0x45: {  	_ =	shalt  }
0x46: {  	_ =	shalt  }
0x47: {  	_ =	shalt  }
0x48: {  	_ =	shalt  }
0x49: {  	_ =	shalt  }
0x4a: {  	_ =	shalt  }
0x4b: {  	_ =	shalt  }
0x4c: {  	_ =	shalt  }
0x4d: {  	_ =	shalt  }
0x4e: {  	_ =	shalt  }
0x4f: {  	_ =	shalt  }
0x50: {  	_ =	shalt  }
0x51: {  	_ =	shalt  }
0x52: {  	_ =	shalt  }
0x53: {  	_ =	shalt  }
0x54: {  	_ =	shalt  }
0x55: {  	_ =	shalt  }
0x56: {  	_ =	shalt  }
0x57: {  	_ =	shalt  }
0x58: {  	_ =	shalt  }
0x59: {  	_ =	shalt  }
0x5a: {  	_ =	shalt  }
0x5b: {  	_ =	shalt  }
0x5c: {  	_ =	shalt  }
0x5d: {  	_ =	shalt  }
0x5e: {  	_ =	shalt  }
0x5f: {  	_ =	shalt  }
0x60: {  	_ =	shalt  }
0x61: {  	_ =	shalt  }
0x62: {  	_ =	shalt  }
0x63: {  	_ =	shalt  }
0x64: {  	_ =	shalt  }
0x65: {  	_ =	shalt  }
0x66: {  	_ =	shalt  }
0x67: {  	_ =	shalt  }
0x68: {  	_ =	shalt  }
0x69: {  	_ =	shalt  }
0x6a: {  	_ =	shalt  }
0x6b: {  	_ =	shalt  }
0x6c: {  	_ =	shalt  }
0x6d: {  	_ =	shalt  }
0x6e: {  	_ =	shalt  }
0x6f: {  	_ =	shalt  }
0x70: {  	_ =	shalt  }
0x71: {  	_ =	shalt  }
0x72: {  	_ =	shalt  }
0x73: {  	_ =	shalt  }
0x74: {  	_ =	shalt  }
0x75: {  	_ =	shalt  }
0x76: {  	_ =	shalt  }
0x77: {  	_ =	shalt  }
0x78: {  	_ =	shalt  }
0x79: {  	_ =	shalt  }
0x7a: {  	_ =	shalt  }
0x7b: {  	_ =	shalt  }
0x7c: {  	_ =	shalt  }
0x7d: {  	_ =	shalt  }
0x7e: {  	_ =	shalt  }
0x7f: {  	_ =	shalt  }
0x80: {  	_ =	shalt  }
0x81: {  	_ =	shalt  }
0x82: {  	_ =	shalt  }
0x83: {  	_ =	shalt  }
0x84: {  	_ =	shalt  }
0x85: {  	_ =	shalt  }
0x86: {  	_ =	shalt  }
0x87: {  	_ =	shalt  }
.Lfunc_end0:
.L_simem_size_0:
called_computation_lowered:
.L_overlay_start_0:
0x88: {  	s2 =	sld [smem:$0x3FD9]  }
0x89: {  	s3 =	sld [smem:$0x3FFE];
	_ =	sdelay $0x1  }
0x8a: {  	s1 =	srdreg.scid  }
0x8b: {  	s0 =	sand.u32 $0x1, s1  }
0x8c: {  	s17 =	sshll.u32 s0, $0xA;
	s2 =	sadd.s32 s3, s2  }
0x8d: {  	s2 =	sadd.s32 s2, s17  }
0x8e: {  	[smem:$0x3FC6] =	sst s2  }
0x8f: {  	_ = 	snop  }
0x90: {  	s2 =	sld [smem:$0x3FD0];
	(tm) =	ssettm $0x1  }
0x91: {  	s18 =	sld [smem:$0x3FFB];
	_ =	sdelay $0x3  }
0x92: {  	_ =	strace s18  }
0x93: {  	s3 =	sld [smem:$0x3FFC];
	_ =	sdelay $0x3  }
0x94: {  	_ =	strace s3  }
0x95: {  	s3 =	sld [smem:$0x3FFD];
	_ =	sdelay $0x3  }
0x96: {  	_ =	strace s3  }
0x97: {  	_ =	strace $0x8FFFFFFF  }
0x98: {  	s19 =	sld [smem:$0x3FDB];
	_ =	sdelay $0x1  }
0x99: {  	s4 =	simm.s32 $_scs_section_size  }
0x9a: {  	s5 =	simm.s32 $_size__tile_overlayer_lowered;
	s6 =	simm.s32 $_tile_overlayer_lowered  }
0x9b: {  	s22 =	simm.s32 $0x1BFF;
	s21 =	sshll.u32 s6, $0x1;
	s3 =	sadd.s32 s4, s19  }
0x9c: {  	s7 =	simm.s32 $0x0;
	s20 =	sshll.u32 s5, $0x1;
	s5 =	sadd.s32 s21, s3  }
0x9d: {  	[timem:s7], [sflag:s22] =	dma.local [hbm:s5], s20  }
0x9e: {  	_ =	swait.ge [sflag:s22], s20  }
0x9f: {  	s4 =	ssub.s32 $0x0, s20;
	[sflag:s22] =	ssyncset.done $0x0  }
0xa0: {  	[sflag:s22] =	ssyncadd.s32 s4;
	_ =	sdelay $0x1  }
0xa1: {  	s23 =	simm.s32 $0x1B8B  }
0xa2: {  	_ =	swait.ge [sflag:s23], $0x1  }
0xa3: {  	[sflag:s23] =	ssyncset.done $0x0  }
0xa4: {  	s25 =	simm.s32 $0x1B8E;
	s24 =	sld [smem:$0x3FFE];
	[sflag:s23] =	ssyncadd.s32 $0xFFFFFFFF  }
0xa5: {  	s26 =	simm.s32 $execute0_lowered;
	[smem:$0x3FD2] =	sst s25  }
0xa6: {  	s5 =	sshll.u32 s26, $0x1;
	_ =	strace $0x80000046;
	[dreg:$0x1] =	wrdreg $0xFFFFFFFF  }
0xa7: {  	s28 =	simm.s32 $_size_execute0_lowered;
	s3 =	sadd.s32 s3, s5;
	[dreg:$0x0] =	wrdreg $0x0  }
0xa8: {  	s5 =	sshll.u32 s28, $0x1;
	[dreg:$0x2] =	wrdreg s3  }
0xa9: {  	[dreg:$0x3] =	wrdreg s5  }
0xaa: {  	[dreg:$0x4] =	wrdreg $0xC0  }
0xab: {  	_ =	task [dreg:s7], $0x5FFFF  }
0xac: {  	[dreg:$0x1] =	wrdreg $0xFFFFFFFF  }
0xad: {  	[dreg:$0x0] =	wrdreg $0x60  }
0xae: {  	[dreg:$0x2] =	wrdreg s24  }
0xaf: {  	[dreg:$0x3] =	wrdreg s2  }
0xb0: {  	[dreg:$0x4] =	wrdreg $0x9  }
0xb1: {  	_ =	task.clear_ibuf [dreg:s7], $0x5FFFF;
	_ =	strace $0x90000046  }
0xb2: {  	s29 =	simm.s32 $0x9;
	_ =	strace $0x80000048  }
0xb3: {  	_ =	swait.ge [sflag:s29], $0x1  }
0xb4: {  	[sflag:s29] =	ssyncadd.s32 $0xFFFFFFFF  }
0xb5: {  	_ =	strace $0x90000048  }
0xb6: {  	_ =	sfence  }
0xb7: {  	s30 =	sld [smem:$0x0];
	_ =	sdelay $0x2  }
0xb8: {  	s31 =	sshll.u32 s1, $0xD;
	s1 =	sshrl.u32 s1, $0x2  }
0xb9: {  	s3 =	sand.u32 $0x4000, s31;
	s1 =	sadd.s32 s1, s30  }
0xba: {  	s0 =	sor.u32 s3, s0;
	s1 =	sshll.u32 s1, $0x11  }
0xbb: {  	s0 =	sor.u32 s1, s0  }
0xbc: {  	s0 =	sadd.s32 $0x8F2B, s0  }
0xbd: {  	[sflag:s0] =	ssyncadd.remote.s32 $0x1  }
0xbe: {  	_ =	sfence.sel $0xFFFF  }
0xbf: {  	[dreg:$0x0] =	wrdreg $0xFFFFFFFF;
	(pc) =	sbr.abs _section_cstart, $3  }
0xc0: {  	[dreg:$0x1] =	wrdreg $0xFFFFFFFF  }
0xc1: {  	_ =	task.clear_ibuf [dreg:s7], $0x2FFFF;
	_ =	strace $0x9FFFFFFF  }
0xc2: {  	(tm) =	ssettm $0x7FFFFFFF  }
0xc3: {  	_ =	shalt  }
tec
execute0_lowered:
.L_overlay_start_1:
0x0: {  	(tag) =	ssettag $0x1  }
0x1: {  	s0 =	rddreg [dreg:$0x0]  }
0x2: {  	s2 =	rddreg [dreg:$0x1];
	s1 =	srdreg.scid  }
0x3: {  	s4 =	stileid.u32;
	s3 =	simm.s32 $0x0;
	s10 =	simm.s32 $0x80  }
0x4: {  	s16 =	simm.s32 $0xE400;
	s17 =	simm.s32 $0x1;
	s18 =	simm.s32 $0x16400  }
0x5: {  	s19 =	simm.s32 $0x12400;
	s20 =	simm.s32 $0x2;
	s21 =	simm.s32 $0x18600  }
0x6: {  	s22 =	simm.s32 $0x3;
	s23 =	simm.s32 $0x1A800;
	s24 =	simm.s32 $0x4  }
0x7: {  	s28 =	simm.s32 $0x6;
	s29 =	simm.s32 $0x7;
	s30 =	simm.s32 $0x8  }
0x8: {  	s31 =	simm.s32 $0x0;
	s1 =	sand.u32 $0x1, s1;
	s4 =	sshll.u32 s4, $0x1  }
0x9: {  	[smem:$0x7FF] =	sst s3;
	s7 =	sadd.s32 $0x8000, s2;
	s5 =	sor.u32 s1, s4  }
.Ltmp0:
0xa: {  	s1 =	ssub.s32 $0x2, s1;
	s4 =	sshll.u32 s5, $0x4;
	(pc) =	sbr.rel .LBB2_1-.Ltmp0, $4  }
0xb: {  	v0 =	vlaneseq.u32;
	s8 =	sadd.s32 $0x10000, s2;
	s25 =	sshrl.u32 s1, $0x1;
	s6 =	sadd.s32 s4, s0  }
0xc: {  	v0 =	vmul.u32 $0x88, v0;
	s4 =	sadd.s32 $0x19400, s0;
	s0 =	ssub.s32 s1, s25;
	s26 =	sadd.s32 $0x400, s6  }
0xd: {  	_ =	strace $0x80000047;
	s0 =	smax.u32 s0, $0x1;
	[dreg:$0x3] =	wrdreg s26  }
0xe: {  	v1 =	vadd.s32 $0x880, v0;
	v2 =	vadd.s32 $0x1100, v0;
	v3 =	vadd.s32 $0x1980, v0;
	s25 =	simm.s32 $0x1CA00;
	s6 =	sshll.u32 s5, $0xA;
	[dreg:$0x4] =	wrdreg s0  }
.LBB2_20:
0xf: {  	s0 =	simm.s32 $0x5  }
0x10: {  	_ =	swait.ge [sflag:s0], $0x2000  }
0x11: {  	[sflag:s0] =	ssyncset.done $0x0  }
0x12: {  	[sflag:s0] =	ssyncadd.s32 $0xFFFFE000  }
0x13: {  	_ =	swait.ge [sflag:s28], $0x2000  }
0x14: {  	[sflag:s28] =	ssyncset.done $0x0  }
0x15: {  	[sflag:s28] =	ssyncadd.s32 $0xFFFFE000  }
0x16: {  	_ =	swait.ge [sflag:s29], $0x2000  }
0x17: {  	[sflag:s29] =	ssyncset.done $0x0  }
0x18: {  	[sflag:s29] =	ssyncadd.s32 $0xFFFFE000  }
0x19: {  	_ =	swait.ge [sflag:s30], $0x2000  }
0x1a: {  	s31 =	sadd.s32 $0x1, s31;
	s26 =	rddreg [dreg:$0x4]  }
0x1b: {  	p0 =	sne.s32 s31, s26  }
.Ltmp1:
0x1c: {  	_ = 	snop;
	(pc) =	sbr.rel @!p0 .LBB2_21-.Ltmp1, $3  }
0x1d: {  	_ =	sdelay $0x1  }
0x1e: {  	[sflag:s30] =	ssyncset.done $0x0  }
0x1f: {  	[sflag:s30] =	ssyncadd.s32 $0xFFFFE000  }
.LBB2_1:
0x20: {  	s0 =	rddreg [dreg:$0x3];
	s1 =	simm.s32 $0x1000;
	s13 =	simm.s32 $0x9  }
0x21: {  	[tilespmem:s3], [sflag:$0x9] =	stream.strided.gather [hbm4b:s0+s10], $0x6400, s1, s10, $0x38;
	[tilespmem:$0x1EC00] =	vst v63  }
0x22: {  	_ =	swait.ge [sflag:s13], $0x6400  }
0x23: {  	[sflag:s13] =	ssyncset.done $0x0  }
0x24: {  	s14 =	simm.s32 $0x6400;
	[sflag:s13] =	ssyncadd.s32 $0xFFFF9C00  }
0x25: {  	[tilespmem:s14], [sflag:$0x1] =	stream.indirect.gather [hbm4b:s4+s10], $0x80, s3, s10, $0xb8;
	[tilespmem:$0x1EC00] =	vst v63  }
0x26: {  	s15 =	simm.s32 $0xA400  }
0x27: {  	[tilespmem:s15], [sflag:$0x2] =	stream.indirect.gather [hbm4b:s4+s10], $0x80, s10, s10, $0xb8;
	[tilespmem:$0x1EC00] =	vst v63  }
0x28: {  	s26 =	simm.s32 $0x100;
	s0 =	simm.s32 $0x0  }
0x29: {  	[tilespmem:s16], [sflag:$0x3] =	stream.indirect.gather [hbm4b:s4+s10], $0x80, s26, s10, $0xb8;
	[tilespmem:$0x1EC00] =	vst v63  }
.LBB2_2:
0x2a: {  	_ =	swait.ge [sflag:s17], $0x4000  }
0x2b: {  	[sflag:s17] =	ssyncset.done $0x0  }
0x2c: {  	s5 =	simm.s32 $0x6500;
	s1 =	simm.s32 $0x3;
	[sflag:s17] =	ssyncadd.s32 $0xFFFFC000  }
0x2d: {  	v4 =	vmov s1;
	v5 =	vld [tilespmem:s5+$0x80]  }
0x2e: {  	v9 =	vand.u32 $0x7F, v4  }
0x2f: {  	s11 =	simm.s32 $0x0;
	v4 =	vadd.s32 v0, v9  }
0x30: {  	s12 =	simm.s32 $0x1;
	s9 =	simm.s32 $0x2;
	v6 =	vmov s11;
	v7 =	vld [tilespmem:s5+$0xFFFFFF00]  }
0x31: {  	v11 =	vmov s9;
	v8 =	vand.u32 $0x7C, v6;
	v6 =	vmov s12;
	v10 =	vld [tilespmem:s5+$0xFFFFFF80]  }
0x32: {  	v12 =	vadd.s32 v0, v8;
	v15 =	vand.u32 $0x7D, v6;
	v6 =	vld [tilespmem:s5+$0x0];
	v5 =	vmul.f32 $8.000000000e+00, v5  }
0x33: {  	v17 =	vand.u32 $0x7E, v11;
	v13 =	vadd.s32 v0, v15  }
0x34: {  	v11 =	vadd.s32 v0, v17;
	[tilespmem:v4+s18+$0x0] =	vst.idx.msk $0xffff, v5  }
0x35: {  	v4 =	vmul.f32 $8.000000000e+00, v7;
	v5 =	vld [tilespmem:s5+$0x90]  }
0x36: {  	v7 =	vmul.f32 $8.000000000e+00, v10  }
0x37: {  	[tilespmem:v12+s18+$0x0] =	vst.idx.msk $0xffff, v4;
	v4 =	vmul.f32 $8.000000000e+00, v6;
	v6 =	vadd.s32 v1, v9  }
0x38: {  	[tilespmem:v13+s18+$0x0] =	vst.idx.msk $0xffff, v7;
	v10 =	vld [tilespmem:s5+$0xFFFFFF10]  }
0x39: {  	v7 =	vld [tilespmem:s5+$0xFFFFFF90];
	[tilespmem:v11+s18+$0x0] =	vst.idx.msk $0xffff, v4  }
0x3a: {  	v11 =	vld [tilespmem:s5+$0x10];
	v4 =	vmul.f32 $8.000000000e+00, v5  }
0x3b: {  	s13 =	simm.s32 $0x4;
	s11 =	simm.s32 $0x7;
	s1 =	simm.s32 $0x6700;
	v12 =	vadd.s32 v1, v15  }
0x3c: {  	v14 =	vld [tilespmem:s1+$0x80];
	v13 =	vadd.s32 v1, v17;
	v5 =	vmov s13;
	[tilespmem:v6+s18+$0x0] =	vst.idx.msk $0xffff, v4;
	v6 =	vmov s11  }
0x3d: {  	v16 =	vadd.s32 v1, v8;
	v4 =	vand.u32 $0x7C, v5;
	v5 =	vand.u32 $0x7F, v6;
	v18 =	vld [tilespmem:s5+$0xA0]  }
0x3e: {  	s14 =	simm.s32 $0x5;
	v19 =	vld [tilespmem:s1+$0xFFFFFF00];
	v22 =	vadd.s32 v2, v9;
	v6 =	vmul.f32 $8.000000000e+00, v7;
	v20 =	vadd.s32 v0, v5  }
0x3f: {  	s15 =	simm.s32 $0x6;
	v21 =	vld [tilespmem:s1+$0xFFFFFF80];
	v10 =	vmul.f32 $8.000000000e+00, v10;
	v7 =	vmul.f32 $8.000000000e+00, v11;
	v11 =	vmov s14  }
0x40: {  	v23 =	vadd.s32 v0, v4;
	[tilespmem:v12+s18+$0x0] =	vst.idx.msk $0xffff, v6;
	v12 =	vmov s15;
	v6 =	vand.u32 $0x7D, v11;
	v11 =	vld [tilespmem:s1+$0x0]  }
0x41: {  	[tilespmem:v13+s18+$0x0] =	vst.idx.msk $0xffff, v7;
	v13 =	vadd.s32 v0, v6;
	v7 =	vand.u32 $0x7E, v12;
	v12 =	vmul.f32 $8.000000000e+00, v14;
	v14 =	vld [tilespmem:s5+$0xFFFFFFA0]  }
0x42: {  	[tilespmem:v16+s18+$0x0] =	vst.idx.msk $0xffff, v10;
	v10 =	vadd.s32 v0, v7;
	v16 =	vld [tilespmem:s5+$0x20];
	v18 =	vmul.f32 $8.000000000e+00, v18  }
0x43: {  	v19 =	vmul.f32 $8.000000000e+00, v19;
	[tilespmem:v20+s18+$0x0] =	vst.idx.msk $0xffff, v12;
	v12 =	vld [tilespmem:s5+$0xFFFFFF20];
	v20 =	vadd.s32 v2, v15  }
0x44: {  	v25 =	vadd.s32 v2, v17;
	v21 =	vmul.f32 $8.000000000e+00, v21;
	v24 =	vld [tilespmem:s1+$0x90];
	[tilespmem:v22+s18+$0x0] =	vst.idx.msk $0xffff, v18  }
0x45: {  	[tilespmem:v23+s18+$0x0] =	vst.idx.msk $0xffff, v19;
	v19 =	vadd.s32 v2, v8;
	v11 =	vmul.f32 $8.000000000e+00, v11;
	v22 =	vld [tilespmem:s5+$0xB0]  }
0x46: {  	v23 =	vld [tilespmem:s1+$0xFFFFFF10];
	[tilespmem:v13+s18+$0x0] =	vst.idx.msk $0xffff, v21;
	v21 =	vadd.s32 v1, v5;
	v14 =	vmul.f32 $8.000000000e+00, v14  }
0x47: {  	v27 =	vadd.s32 v3, v9;
	v26 =	vld [tilespmem:s1+$0xFFFFFF90];
	[tilespmem:v10+s18+$0x0] =	vst.idx.msk $0xffff, v11;
	v10 =	vmul.f32 $8.000000000e+00, v16  }
0x48: {  	v18 =	vadd.s32 v1, v4;
	v13 =	vld [tilespmem:s1+$0x10];
	v9 =	vmul.f32 $8.000000000e+00, v12;
	[tilespmem:v20+s18+$0x0] =	vst.idx.msk $0xffff, v14  }
0x49: {  	s13 =	simm.s32 $0x8;
	v16 =	vadd.s32 v1, v6;
	[tilespmem:v25+s18+$0x0] =	vst.idx.msk $0xffff, v10;
	v14 =	vmul.f32 $8.000000000e+00, v24;
	v12 =	vld [tilespmem:s5+$0xFFFFFFB0]  }
0x4a: {  	v20 =	vmov s13;
	v10 =	vadd.s32 v1, v7;
	v11 =	vld [tilespmem:s5+$0x30];
	[tilespmem:v19+s18+$0x0] =	vst.idx.msk $0xffff, v9;
	v63 =	vmul.f32 $8.000000000e+00, v22  }
0x4b: {  	s26 =	simm.s32 $0xB;
	s11 =	simm.s32 $0x6900;
	v15 =	vadd.s32 v3, v15;
	v9 =	vand.u32 $0x7C, v20;
	v20 =	vmul.f32 $8.000000000e+00, v23;
	[tilespmem:v21+s18+$0x0] =	vst.idx.msk $0xffff, v14;
	v14 =	vld [tilespmem:s5+$0xFFFFFF30]  }
0x4c: {  	v17 =	vadd.s32 v3, v17;
	v22 =	vmov s26;
	v19 =	vld [tilespmem:s11+$0x80];
	s5 =	simm.s32 $0xC;
	v21 =	vmul.f32 $8.000000000e+00, v26;
	[tilespmem:v27+s18+$0x0] =	vst.idx.msk $0xffff, v63  }
.LBB2_3:
0x4d: {  	p0 =	slt.u32 s5, $0x7C;
	s9 =	sadd.s32 $0x1, s13;
	v22 =	vand.u32 $0x7F, v22;
	[tilespmem:v18+s18+$0x0] =	vst.idx.msk $0xffff, v20;
	v13 =	vmul.f32 $8.000000000e+00, v13;
	v18 =	vld [tilespmem:s1+$0xA0];
	v20 =	vadd.s32 v3, v8;
	v8 =	vmovc v4  }
0x4e: {  	v4 =	vmovc v9;
	v23 =	vld [tilespmem:s11+$0xFFFFFF00];
	v24 =	vmov s9;
	s9 =	sadd.s32 $0x2, s13;
	v25 =	vadd.s32 v0, v22;
	[tilespmem:v16+s18+$0x0] =	vst.idx.msk $0xffff, v21;
	v12 =	vmul.f32 $8.000000000e+00, v12;
	s13 =	smov.u32 s5  }
0x4f: {  	v9 =	vld [tilespmem:s11+$0xFFFFFF80];
	v16 =	vmov s9;
	[tilespmem:v10+s18+$0x0] =	vst.idx.msk $0xffff, v13;
	v10 =	vadd.s32 v2, v5;
	v11 =	vmul.f32 $8.000000000e+00, v11  }
0x50: {  	v13 =	vadd.s32 v0, v4;
	v21 =	vand.u32 $0x7D, v24;
	v24 =	vld [tilespmem:s11+$0x0];
	v14 =	vmul.f32 $8.000000000e+00, v14;
	[tilespmem:v15+s18+$0x0] =	vst.idx.msk $0xffff, v12  }
0x51: {  	v12 =	vadd.s32 v0, v21;
	v26 =	vand.u32 $0x7E, v16;
	v15 =	vmul.f32 $8.000000000e+00, v19;
	v16 =	vld [tilespmem:s1+$0xFFFFFFA0];
	[tilespmem:v17+s18+$0x0] =	vst.idx.msk $0xffff, v11  }
0x52: {  	v11 =	vadd.s32 v0, v26;
	v17 =	vld [tilespmem:s1+$0x20];
	v18 =	vmul.f32 $8.000000000e+00, v18;
	[tilespmem:v20+s18+$0x0] =	vst.idx.msk $0xffff, v14  }
0x53: {  	v19 =	vadd.s32 v2, v6;
	v14 =	vmul.f32 $8.000000000e+00, v23;
	[tilespmem:v25+s18+$0x0] =	vst.idx.msk $0xffff, v15;
	v15 =	vld [tilespmem:s1+$0xFFFFFF20]  }
0x54: {  	v23 =	vadd.s32 v2, v7;
	v9 =	vmul.f32 $8.000000000e+00, v9;
	v20 =	vld [tilespmem:s11+$0x90];
	[tilespmem:v10+s18+$0x0] =	vst.idx.msk $0xffff, v18  }
0x55: {  	[tilespmem:v13+s18+$0x0] =	vst.idx.msk $0xffff, v14;
	v10 =	vmul.f32 $8.000000000e+00, v24;
	v14 =	vadd.s32 v2, v8;
	v24 =	vld [tilespmem:s1+$0xB0]  }
0x56: {  	v27 =	vadd.s32 v1, v22;
	v25 =	vld [tilespmem:s11+$0xFFFFFF10];
	[tilespmem:v12+s18+$0x0] =	vst.idx.msk $0xffff, v9;
	v9 =	vmul.f32 $8.000000000e+00, v16  }
0x57: {  	v29 =	vadd.s32 v3, v5;
	v5 =	vmov v22;
	v28 =	vld [tilespmem:s11+$0xFFFFFF90];
	[tilespmem:v11+s18+$0x0] =	vst.idx.msk $0xffff, v10;
	v10 =	vmul.f32 $8.000000000e+00, v17  }
.Ltmp2:
0x58: {  	v18 =	vadd.s32 v1, v4;
	v13 =	vld [tilespmem:s11+$0x10];
	v11 =	vmul.f32 $8.000000000e+00, v15;
	[tilespmem:v19+s18+$0x0] =	vst.idx.msk $0xffff, v9;
	(pc) =	sbr.rel @p0 .LBB2_3-.Ltmp2, $4  }
0x59: {  	v16 =	vadd.s32 v1, v21;
	v15 =	vmul.f32 $8.000000000e+00, v20;
	v12 =	vld [tilespmem:s1+$0xFFFFFFB0];
	[tilespmem:v23+s18+$0x0] =	vst.idx.msk $0xffff, v10  }
0x5a: {  	v9 =	vmov s5;
	v10 =	vadd.s32 v1, v26;
	[tilespmem:v14+s18+$0x0] =	vst.idx.msk $0xffff, v11;
	v11 =	vld [tilespmem:s1+$0x30];
	v23 =	vmul.f32 $8.000000000e+00, v24  }
0x5b: {  	s9 =	sadd.s32 $0x3, s5;
	v9 =	vand.u32 $0x7C, v9;
	v20 =	vmul.f32 $8.000000000e+00, v25;
	[tilespmem:v27+s18+$0x0] =	vst.idx.msk $0xffff, v15;
	v14 =	vld [tilespmem:s1+$0xFFFFFF30];
	v15 =	vadd.s32 v3, v6;
	v6 =	vmovc v21;
	s1 =	smov.u32 s11;
	s11 =	sadd.s32 $0x200, s11  }
0x5c: {  	v22 =	vmov s9;
	v17 =	vadd.s32 v3, v7;
	v7 =	vmovc v26;
	s5 =	sadd.s32 $0x4, s5;
	v19 =	vld [tilespmem:s11+$0x80];
	v21 =	vmul.f32 $8.000000000e+00, v28;
	[tilespmem:v29+s18+$0x0] =	vst.idx.msk $0xffff, v23  }
0x5d: {  	s5 =	sadd.s32 $0x1, s13;
	v22 =	vand.u32 $0x7F, v22;
	v28 =	vld [tilespmem:s11+$0xFFFFFF00]  }
0x5e: {  	s26 =	sadd.s32 $0x2, s13;
	v24 =	vld [tilespmem:s11+$0xFFFFFF80];
	v23 =	vmov s5;
	v25 =	vadd.s32 v0, v22  }
0x5f: {  	v27 =	vld [tilespmem:s11+$0x0];
	v51 =	vadd.s32 v0, v9;
	v26 =	vmov s26;
	v23 =	vand.u32 $0x7D, v23  }
0x60: {  	v26 =	vand.u32 $0x7E, v26;
	v29 =	vadd.s32 v0, v23  }
0x61: {  	[tilespmem:v18+s18+$0x0] =	vst.idx.msk $0xffff, v20;
	v30 =	vadd.s32 v0, v26;
	v19 =	vmul.f32 $8.000000000e+00, v19  }
0x62: {  	[tilespmem:v16+s18+$0x0] =	vst.idx.msk $0xffff, v21;
	v54 =	vmul.f32 $8.000000000e+00, v28  }
0x63: {  	v52 =	vmul.f32 $8.000000000e+00, v24;
	[tilespmem:v25+s18+$0x0] =	vst.idx.msk $0xffff, v19  }
0x64: {  	v53 =	vmul.f32 $8.000000000e+00, v27;
	v55 =	vld [tilespmem:s11+$0x90];
	[tilespmem:v51+s18+$0x0] =	vst.idx.msk $0xffff, v54  }
0x65: {  	v13 =	vmul.f32 $8.000000000e+00, v13;
	v8 =	vadd.s32 v3, v8;
	[tilespmem:v29+s18+$0x0] =	vst.idx.msk $0xffff, v52;
	v59 =	vld [tilespmem:s11+$0xFFFFFF10]  }
0x66: {  	v12 =	vmul.f32 $8.000000000e+00, v12;
	v57 =	vadd.s32 v1, v22;
	[tilespmem:v30+s18+$0x0] =	vst.idx.msk $0xffff, v53;
	v56 =	vld [tilespmem:s11+$0xFFFFFF90]  }
0x67: {  	[tilespmem:v10+s18+$0x0] =	vst.idx.msk $0xffff, v13;
	v58 =	vmul.f32 $8.000000000e+00, v11;
	v28 =	vadd.s32 v1, v9;
	v19 =	vld [tilespmem:s11+$0x10]  }
0x68: {  	v61 =	vld [tilespmem:s1+$0xA0];
	v60 =	vadd.s32 v1, v23;
	v14 =	vmul.f32 $8.000000000e+00, v14;
	[tilespmem:v15+s18+$0x0] =	vst.idx.msk $0xffff, v12  }
0x69: {  	v32 =	vld [tilespmem:s1+$0xFFFFFF20];
	v62 =	vadd.s32 v1, v26;
	[tilespmem:v17+s18+$0x0] =	vst.idx.msk $0xffff, v58;
	v16 =	vmul.f32 $8.000000000e+00, v55  }
0x6a: {  	[tilespmem:v8+s18+$0x0] =	vst.idx.msk $0xffff, v14;
	v29 =	vadd.s32 v2, v5;
	v30 =	vld [tilespmem:s1+$0x20];
	v11 =	vmul.f32 $8.000000000e+00, v59  }
0x6b: {  	v38 =	vadd.s32 v2, v4;
	v63 =	vld [tilespmem:s1+$0xFFFFFFA0];
	v31 =	vmul.f32 $8.000000000e+00, v56;
	[tilespmem:v57+s18+$0x0] =	vst.idx.msk $0xffff, v16  }
0x6c: {  	v35 =	vadd.s32 v2, v7;
	v34 =	vmul.f32 $8.000000000e+00, v19;
	v36 =	vld [tilespmem:s11+$0xA0];
	[tilespmem:v28+s18+$0x0] =	vst.idx.msk $0xffff, v11  }
0x6d: {  	v33 =	vadd.s32 v2, v6;
	v37 =	vmul.f32 $8.000000000e+00, v61;
	[tilespmem:v60+s18+$0x0] =	vst.idx.msk $0xffff, v31;
	v43 =	vld [tilespmem:s11+$0xFFFFFF20]  }
0x6e: {  	v40 =	vadd.s32 v2, v22;
	v14 =	vmul.f32 $8.000000000e+00, v32;
	[tilespmem:v62+s18+$0x0] =	vst.idx.msk $0xffff, v34;
	v39 =	vld [tilespmem:s11+$0xFFFFFFA0]  }
0x6f: {  	v48 =	vadd.s32 v2, v9;
	[tilespmem:v29+s18+$0x0] =	vst.idx.msk $0xffff, v37;
	v42 =	vmul.f32 $8.000000000e+00, v30;
	v41 =	vld [tilespmem:s11+$0x20]  }
0x70: {  	v44 =	vadd.s32 v2, v23;
	v15 =	vmul.f32 $8.000000000e+00, v63;
	[tilespmem:v38+s18+$0x0] =	vst.idx.msk $0xffff, v14;
	v45 =	vld [tilespmem:s1+$0xB0]  }
0x71: {  	v46 =	vadd.s32 v2, v26;
	v14 =	vld [tilespmem:s1+$0xFFFFFF30];
	[tilespmem:v35+s18+$0x0] =	vst.idx.msk $0xffff, v42;
	v47 =	vmul.f32 $8.000000000e+00, v36  }
0x72: {  	v5 =	vadd.s32 v3, v5;
	[tilespmem:v33+s18+$0x0] =	vst.idx.msk $0xffff, v15;
	v49 =	vld [tilespmem:s1+$0x30];
	v53 =	vmul.f32 $8.000000000e+00, v43  }
0x73: {  	v4 =	vadd.s32 v3, v4;
	v21 =	vld [tilespmem:s1+$0xFFFFFFB0];
	v12 =	vmul.f32 $8.000000000e+00, v39;
	[tilespmem:v40+s18+$0x0] =	vst.idx.msk $0xffff, v47  }
0x74: {  	v52 =	vadd.s32 v3, v7;
	v51 =	vmul.f32 $8.000000000e+00, v41;
	v10 =	vld [tilespmem:s11+$0xB0];
	[tilespmem:v48+s18+$0x0] =	vst.idx.msk $0xffff, v53  }
0x75: {  	v50 =	vadd.s32 v3, v6;
	v54 =	vmul.f32 $8.000000000e+00, v45;
	[tilespmem:v44+s18+$0x0] =	vst.idx.msk $0xffff, v12;
	v59 =	vld [tilespmem:s11+$0xFFFFFF30]  }
0x76: {  	v57 =	vadd.s32 v3, v22;
	v14 =	vmul.f32 $8.000000000e+00, v14;
	[tilespmem:v46+s18+$0x0] =	vst.idx.msk $0xffff, v51;
	v55 =	vld [tilespmem:s11+$0xFFFFFFB0]  }
0x77: {  	v62 =	vadd.s32 v3, v9;
	[tilespmem:v5+s18+$0x0] =	vst.idx.msk $0xffff, v54;
	v5 =	vmul.f32 $8.000000000e+00, v49;
	v58 =	vld [tilespmem:s11+$0x30]  }
0x78: {  	v56 =	vmul.f32 $8.000000000e+00, v21;
	v60 =	vadd.s32 v3, v23;
	[tilespmem:v4+s18+$0x0] =	vst.idx.msk $0xffff, v14  }
0x79: {  	v61 =	vadd.s32 v3, v26;
	[tilespmem:v52+s18+$0x0] =	vst.idx.msk $0xffff, v5;
	v5 =	vmul.f32 $8.000000000e+00, v10  }
0x7a: {  	[tilespmem:v50+s18+$0x0] =	vst.idx.msk $0xffff, v56;
	v63 =	vmul.f32 $8.000000000e+00, v59  }
0x7b: {  	s5 =	sshll.u32 s0, $0x14;
	v4 =	vmul.f32 $8.000000000e+00, v55;
	[tilespmem:v57+s18+$0x0] =	vst.idx.msk $0xffff, v5  }
0x7c: {  	s1 =	sor.u32 s6, s5;
	v5 =	vmul.f32 $8.000000000e+00, v58;
	[tilespmem:v62+s18+$0x0] =	vst.idx.msk $0xffff, v63  }
0x7d: {  	s11 =	sshrl.u32 s1, $0x3;
	[tilespmem:v60+s18+$0x0] =	vst.idx.msk $0xffff, v4  }
0x7e: {  	s9 =	simm.s32 $0x16400;
	s5 =	sadd.s32 s2, s11;
	[tilespmem:v61+s18+$0x0] =	vst.idx.msk $0xffff, v5  }
0x7f: {  	[hbm4b:s5+s3] =	stream.linear.scatter [tilespmem:s9], [sflag:$0x5], $0x80, $0x38;
	[tilespmem:$0x1EC00] =	vst v63  }
0x80: {  	s12 =	simm.s32 $0x16488;
	s9 =	sadd.s32 $0x10, s5  }
0x81: {  	[hbm4b:s9+s3] =	stream.linear.scatter [tilespmem:s12], [sflag:$0x5], $0x80, $0x38;
	[tilespmem:$0x1EC00] =	vst v63  }
0x82: {  	s13 =	simm.s32 $0x16510;
	s15 =	simm.s32 $0x16598;
	s14 =	sadd.s32 $0x20, s5  }
0x83: {  	[hbm4b:s14+s3] =	stream.linear.scatter [tilespmem:s13], [sflag:$0x5], $0x80, $0x38;
	[tilespmem:$0x1EC00] =	vst v63  }
0x84: {  	s1 =	simm.s32 $0x440;
	s26 =	sadd.s32 $0x30, s5;
	s9 =	simm.s32 $0x16620  }
0x85: {  	[hbm4b:s26+s3] =	stream.linear.scatter [tilespmem:s15], [sflag:$0x5], $0x80, $0x38;
	[tilespmem:$0x1EC00] =	vst v63  }
0x86: {  	s12 =	sadd.s32 $0x40, s5;
	s13 =	simm.s32 $0x166A8;
	s14 =	sadd.s32 $0x50, s5  }
0x87: {  	[hbm4b:s12+s3] =	stream.linear.scatter [tilespmem:s9], [sflag:$0x5], $0x80, $0x38;
	[tilespmem:$0x1EC00] =	vst v63  }
0x88: {  	s15 =	simm.s32 $0x16730;
	s26 =	sadd.s32 $0x60, s5;
	s9 =	simm.s32 $0x2200  }
0x89: {  	[hbm4b:s14+s3] =	stream.linear.scatter [tilespmem:s13], [sflag:$0x5], $0x80, $0x38;
	[tilespmem:$0x1EC00] =	vst v63  }
0x8a: {  	s13 =	simm.s32 $0x167B8;
	s14 =	sadd.s32 $0x70, s5;
	s5 =	sadd.s32 $0x1000, s5  }
0x8b: {  	[hbm4b:s26+s3] =	stream.linear.scatter [tilespmem:s15], [sflag:$0x5], $0x80, $0x38;
	[tilespmem:$0x1EC00] =	vst v63  }
.LBB2_5:
0x8c: {  	[hbm4b:s14+s3] =	stream.linear.scatter [tilespmem:s13], [sflag:$0x5], $0x80, $0x38;
	[tilespmem:$0x1EC00] =	vst v63  }
0x8d: {  	s13 =	smov.u32 s1;
	s1 =	smov.u32 s9  }
0x8e: {  	s15 =	sadd.s32 $0x1100, s9;
	s1 =	sshra.s32 s1, $0x2;
	s14 =	sadd.s32 $0x16400, s13  }
0x8f: {  	[hbm4b:s5+s3] =	stream.linear.scatter [tilespmem:s14], [sflag:$0x5], $0x80, $0x38;
	[tilespmem:$0x1EC00] =	vst v63  }
0x90: {  	p0 =	sne.s32 s9, $0x7700;
	s9 =	sadd.s32 $0x16488, s13;
	s14 =	sadd.s32 $0x10, s5  }
0x91: {  	[hbm4b:s14+s3] =	stream.linear.scatter [tilespmem:s9], [sflag:$0x5], $0x80, $0x38;
	[tilespmem:$0x1EC00] =	vst v63  }
0x92: {  	s9 =	sadd.s32 $0x16510, s13;
	s14 =	sadd.s32 $0x20, s5  }
0x93: {  	[hbm4b:s14+s3] =	stream.linear.scatter [tilespmem:s9], [sflag:$0x5], $0x80, $0x38;
	[tilespmem:$0x1EC00] =	vst v63  }
0x94: {  	s9 =	sadd.s32 $0x16598, s13;
	s14 =	sadd.s32 $0x30, s5  }
0x95: {  	[hbm4b:s14+s3] =	stream.linear.scatter [tilespmem:s9], [sflag:$0x5], $0x80, $0x38;
	[tilespmem:$0x1EC00] =	vst v63  }
0x96: {  	s9 =	sadd.s32 $0x16620, s13;
	s14 =	sadd.s32 $0x40, s5  }
0x97: {  	[hbm4b:s14+s3] =	stream.linear.scatter [tilespmem:s9], [sflag:$0x5], $0x80, $0x38;
	[tilespmem:$0x1EC00] =	vst v63  }
.Ltmp3:
0x98: {  	s9 =	sadd.s32 $0x166A8, s13;
	s14 =	sadd.s32 $0x50, s5;
	(pc) =	sbr.rel @p0 .LBB2_5-.Ltmp3, $4  }
0x99: {  	[hbm4b:s14+s3] =	stream.linear.scatter [tilespmem:s9], [sflag:$0x5], $0x80, $0x38;
	[tilespmem:$0x1EC00] =	vst v63  }
0x9a: {  	s9 =	sadd.s32 $0x16730, s13;
	s14 =	sadd.s32 $0x60, s5;
	s13 =	sadd.s32 $0x167B8, s13  }
0x9b: {  	[hbm4b:s14+s3] =	stream.linear.scatter [tilespmem:s9], [sflag:$0x5], $0x80, $0x38;
	[tilespmem:$0x1EC00] =	vst v63  }
0x9c: {  	s14 =	sadd.s32 $0x70, s5;
	s5 =	sadd.s32 $0x1000, s5;
	s9 =	smov.u32 s15  }
0x9d: {  	[hbm4b:s14+s3] =	stream.linear.scatter [tilespmem:s13], [sflag:$0x5], $0x80, $0x38;
	[tilespmem:$0x1EC00] =	vst v63  }
0x9e: {  	s9 =	sadd.s32 $0x16400, s1  }
0x9f: {  	[hbm4b:s5+s3] =	stream.linear.scatter [tilespmem:s9], [sflag:$0x5], $0x80, $0x38;
	[tilespmem:$0x1EC00] =	vst v63  }
0xa0: {  	s14 =	sadd.s32 $0x16488, s1;
	s15 =	sadd.s32 $0x10, s5  }
0xa1: {  	[hbm4b:s15+s3] =	stream.linear.scatter [tilespmem:s14], [sflag:$0x5], $0x80, $0x38;
	[tilespmem:$0x1EC00] =	vst v63  }
0xa2: {  	s26 =	sadd.s32 $0x16510, s1;
	s12 =	sadd.s32 $0x20, s5  }
0xa3: {  	[hbm4b:s12+s3] =	stream.linear.scatter [tilespmem:s26], [sflag:$0x5], $0x80, $0x38;
	[tilespmem:$0x1EC00] =	vst v63  }
0xa4: {  	s14 =	sadd.s32 $0x16598, s1;
	s15 =	sadd.s32 $0x30, s5  }
0xa5: {  	[hbm4b:s15+s3] =	stream.linear.scatter [tilespmem:s14], [sflag:$0x5], $0x80, $0x38;
	[tilespmem:$0x1EC00] =	vst v63  }
0xa6: {  	s26 =	sadd.s32 $0x16620, s1;
	s12 =	sadd.s32 $0x40, s5  }
0xa7: {  	[hbm4b:s12+s3] =	stream.linear.scatter [tilespmem:s26], [sflag:$0x5], $0x80, $0x38;
	[tilespmem:$0x1EC00] =	vst v63  }
0xa8: {  	s14 =	sadd.s32 $0x166A8, s1;
	s15 =	sadd.s32 $0x50, s5  }
0xa9: {  	[hbm4b:s15+s3] =	stream.linear.scatter [tilespmem:s14], [sflag:$0x5], $0x80, $0x38;
	[tilespmem:$0x1EC00] =	vst v63  }
0xaa: {  	p0 =	seq.s32 s0, $0x0;
	s26 =	sadd.s32 $0x16730, s1;
	s12 =	sadd.s32 $0x60, s5  }
0xab: {  	[hbm4b:s12+s3] =	stream.linear.scatter [tilespmem:s26], [sflag:$0x5], $0x80, $0x38;
	[tilespmem:$0x1EC00] =	vst v63  }
0xac: {  	s14 =	sadd.s32 $0x167B8, s1;
	s15 =	sadd.s32 $0x70, s5;
	s5 =	simm.s32 @!p0 $0x8  }
0xad: {  	[hbm4b:s15+s3] =	stream.linear.scatter [tilespmem:s14], [sflag:$0x5], $0x80, $0x38;
	[tilespmem:$0x1EC00] =	vst v63  }
0xae: {  	s1 =	sshllo.u32 s0, $0x2;
	_ =	swait.ge @!p0 [sflag:s5], $0x2000  }
0xaf: {  	s26 =	sshll.u32 s1, $0x7;
	[sflag:s5] =	ssyncset.done @!p0 $0x0  }
0xb0: {  	s9 =	sand.u32 $0x3FFFFF80, s26;
	[sflag:s5] =	ssyncadd.s32 @!p0 $0xFFFFE000  }
0xb1: {  	[tilespmem:s19], [sflag:$0x4] =	stream.indirect.gather [hbm4b:s4+s10], $0x80, s9, s10, $0xb8;
	[tilespmem:$0x1EC00] =	vst v63  }
0xb2: {  	_ =	swait.ge [sflag:s20], $0x4000  }
0xb3: {  	[sflag:s20] =	ssyncset.done $0x0  }
0xb4: {  	s12 =	simm.s32 $0x3;
	s5 =	simm.s32 $0xA500;
	[sflag:s20] =	ssyncadd.s32 $0xFFFFC000  }
0xb5: {  	v4 =	vmov s12;
	v5 =	vld [tilespmem:s5+$0x80]  }
0xb6: {  	s13 =	simm.s32 $0x0;
	v9 =	vand.u32 $0x7F, v4  }
0xb7: {  	v6 =	vmov s13;
	v4 =	vadd.s32 v0, v9  }
0xb8: {  	v8 =	vand.u32 $0x7C, v6;
	s14 =	simm.s32 $0x1;
	v7 =	vld [tilespmem:s5+$0xFFFFFF00]  }
0xb9: {  	v12 =	vadd.s32 v0, v8;
	s15 =	simm.s32 $0x2;
	v6 =	vmov s14;
	v10 =	vld [tilespmem:s5+$0xFFFFFF80]  }
0xba: {  	v11 =	vmov s15;
	v15 =	vand.u32 $0x7D, v6;
	v6 =	vld [tilespmem:s5+$0x0];
	v5 =	vmul.f32 $8.000000000e+00, v5  }
0xbb: {  	v17 =	vand.u32 $0x7E, v11;
	v13 =	vadd.s32 v0, v15  }
0xbc: {  	v11 =	vadd.s32 v0, v17;
	[tilespmem:v4+s21+$0x0] =	vst.idx.msk $0xffff, v5  }
0xbd: {  	v4 =	vmul.f32 $8.000000000e+00, v7;
	v5 =	vld [tilespmem:s5+$0x90]  }
0xbe: {  	v7 =	vmul.f32 $8.000000000e+00, v10  }
0xbf: {  	[tilespmem:v12+s21+$0x0] =	vst.idx.msk $0xffff, v4;
	v4 =	vmul.f32 $8.000000000e+00, v6;
	v6 =	vadd.s32 v1, v9  }
0xc0: {  	[tilespmem:v13+s21+$0x0] =	vst.idx.msk $0xffff, v7;
	v10 =	vld [tilespmem:s5+$0xFFFFFF10]  }
0xc1: {  	v7 =	vld [tilespmem:s5+$0xFFFFFF90];
	[tilespmem:v11+s21+$0x0] =	vst.idx.msk $0xffff, v4  }
0xc2: {  	v11 =	vld [tilespmem:s5+$0x10];
	v4 =	vmul.f32 $8.000000000e+00, v5  }
0xc3: {  	s13 =	simm.s32 $0xA700;
	s26 =	simm.s32 $0x4;
	s12 =	simm.s32 $0x7;
	v12 =	vadd.s32 v1, v15  }
0xc4: {  	v14 =	vld [tilespmem:s13+$0x80];
	v13 =	vadd.s32 v1, v17;
	v5 =	vmov s26;
	[tilespmem:v6+s21+$0x0] =	vst.idx.msk $0xffff, v4;
	v6 =	vmov s12  }
0xc5: {  	v16 =	vadd.s32 v1, v8;
	v4 =	vand.u32 $0x7C, v5;
	v5 =	vand.u32 $0x7F, v6;
	v18 =	vld [tilespmem:s5+$0xA0]  }
0xc6: {  	s14 =	simm.s32 $0x5;
	v22 =	vadd.s32 v2, v9;
	v19 =	vld [tilespmem:s13+$0xFFFFFF00];
	v6 =	vmul.f32 $8.000000000e+00, v7;
	v20 =	vadd.s32 v0, v5  }
0xc7: {  	s15 =	simm.s32 $0x6;
	v21 =	vld [tilespmem:s13+$0xFFFFFF80];
	v10 =	vmul.f32 $8.000000000e+00, v10;
	v7 =	vmul.f32 $8.000000000e+00, v11;
	v11 =	vmov s14  }
0xc8: {  	v23 =	vadd.s32 v0, v4;
	[tilespmem:v12+s21+$0x0] =	vst.idx.msk $0xffff, v6;
	v12 =	vmov s15;
	v6 =	vand.u32 $0x7D, v11;
	v11 =	vld [tilespmem:s13+$0x0]  }
0xc9: {  	[tilespmem:v13+s21+$0x0] =	vst.idx.msk $0xffff, v7;
	v13 =	vadd.s32 v0, v6;
	v7 =	vand.u32 $0x7E, v12;
	v12 =	vmul.f32 $8.000000000e+00, v14;
	v14 =	vld [tilespmem:s5+$0xFFFFFFA0]  }
0xca: {  	[tilespmem:v16+s21+$0x0] =	vst.idx.msk $0xffff, v10;
	v10 =	vadd.s32 v0, v7;
	v16 =	vld [tilespmem:s5+$0x20];
	v18 =	vmul.f32 $8.000000000e+00, v18  }
0xcb: {  	v19 =	vmul.f32 $8.000000000e+00, v19;
	[tilespmem:v20+s21+$0x0] =	vst.idx.msk $0xffff, v12;
	v12 =	vld [tilespmem:s5+$0xFFFFFF20];
	v20 =	vadd.s32 v2, v15  }
0xcc: {  	v25 =	vadd.s32 v2, v17;
	v21 =	vmul.f32 $8.000000000e+00, v21;
	v24 =	vld [tilespmem:s13+$0x90];
	[tilespmem:v22+s21+$0x0] =	vst.idx.msk $0xffff, v18  }
0xcd: {  	[tilespmem:v23+s21+$0x0] =	vst.idx.msk $0xffff, v19;
	v19 =	vadd.s32 v2, v8;
	v11 =	vmul.f32 $8.000000000e+00, v11;
	v22 =	vld [tilespmem:s5+$0xB0]  }
0xce: {  	v23 =	vld [tilespmem:s13+$0xFFFFFF10];
	[tilespmem:v13+s21+$0x0] =	vst.idx.msk $0xffff, v21;
	v21 =	vadd.s32 v1, v5;
	v14 =	vmul.f32 $8.000000000e+00, v14  }
0xcf: {  	v27 =	vadd.s32 v3, v9;
	v26 =	vld [tilespmem:s13+$0xFFFFFF90];
	[tilespmem:v10+s21+$0x0] =	vst.idx.msk $0xffff, v11;
	v10 =	vmul.f32 $8.000000000e+00, v16  }
0xd0: {  	v18 =	vadd.s32 v1, v4;
	v13 =	vld [tilespmem:s13+$0x10];
	v9 =	vmul.f32 $8.000000000e+00, v12;
	[tilespmem:v20+s21+$0x0] =	vst.idx.msk $0xffff, v14  }
0xd1: {  	s15 =	simm.s32 $0x8;
	v16 =	vadd.s32 v1, v6;
	[tilespmem:v25+s21+$0x0] =	vst.idx.msk $0xffff, v10;
	v14 =	vmul.f32 $8.000000000e+00, v24;
	v12 =	vld [tilespmem:s5+$0xFFFFFFB0]  }
0xd2: {  	v20 =	vmov s15;
	v10 =	vadd.s32 v1, v7;
	v11 =	vld [tilespmem:s5+$0x30];
	[tilespmem:v19+s21+$0x0] =	vst.idx.msk $0xffff, v9;
	v63 =	vmul.f32 $8.000000000e+00, v22  }
0xd3: {  	s26 =	simm.s32 $0xB;
	s14 =	simm.s32 $0xA900;
	v15 =	vadd.s32 v3, v15;
	v9 =	vand.u32 $0x7C, v20;
	v20 =	vmul.f32 $8.000000000e+00, v23;
	[tilespmem:v21+s21+$0x0] =	vst.idx.msk $0xffff, v14;
	v14 =	vld [tilespmem:s5+$0xFFFFFF30]  }
0xd4: {  	v17 =	vadd.s32 v3, v17;
	v22 =	vmov s26;
	v19 =	vld [tilespmem:s14+$0x80];
	s5 =	simm.s32 $0xC;
	v21 =	vmul.f32 $8.000000000e+00, v26;
	[tilespmem:v27+s21+$0x0] =	vst.idx.msk $0xffff, v63  }
.LBB2_7:
0xd5: {  	p0 =	slt.u32 s5, $0x7C;
	s9 =	sadd.s32 $0x1, s15;
	v22 =	vand.u32 $0x7F, v22;
	[tilespmem:v18+s21+$0x0] =	vst.idx.msk $0xffff, v20;
	v13 =	vmul.f32 $8.000000000e+00, v13;
	v18 =	vld [tilespmem:s13+$0xA0];
	v20 =	vadd.s32 v3, v8;
	v8 =	vmovc v4  }
0xd6: {  	v4 =	vmovc v9;
	v23 =	vld [tilespmem:s14+$0xFFFFFF00];
	v24 =	vmov s9;
	s9 =	sadd.s32 $0x2, s15;
	v25 =	vadd.s32 v0, v22;
	[tilespmem:v16+s21+$0x0] =	vst.idx.msk $0xffff, v21;
	v12 =	vmul.f32 $8.000000000e+00, v12;
	s15 =	smov.u32 s5  }
0xd7: {  	v9 =	vld [tilespmem:s14+$0xFFFFFF80];
	v16 =	vmov s9;
	[tilespmem:v10+s21+$0x0] =	vst.idx.msk $0xffff, v13;
	v10 =	vadd.s32 v2, v5;
	v11 =	vmul.f32 $8.000000000e+00, v11  }
0xd8: {  	v13 =	vadd.s32 v0, v4;
	v21 =	vand.u32 $0x7D, v24;
	v24 =	vld [tilespmem:s14+$0x0];
	v14 =	vmul.f32 $8.000000000e+00, v14;
	[tilespmem:v15+s21+$0x0] =	vst.idx.msk $0xffff, v12  }
0xd9: {  	v12 =	vadd.s32 v0, v21;
	v26 =	vand.u32 $0x7E, v16;
	v15 =	vmul.f32 $8.000000000e+00, v19;
	v16 =	vld [tilespmem:s13+$0xFFFFFFA0];
	[tilespmem:v17+s21+$0x0] =	vst.idx.msk $0xffff, v11  }
0xda: {  	v11 =	vadd.s32 v0, v26;
	v17 =	vld [tilespmem:s13+$0x20];
	v18 =	vmul.f32 $8.000000000e+00, v18;
	[tilespmem:v20+s21+$0x0] =	vst.idx.msk $0xffff, v14  }
0xdb: {  	v19 =	vadd.s32 v2, v6;
	v14 =	vmul.f32 $8.000000000e+00, v23;
	[tilespmem:v25+s21+$0x0] =	vst.idx.msk $0xffff, v15;
	v15 =	vld [tilespmem:s13+$0xFFFFFF20]  }
0xdc: {  	v23 =	vadd.s32 v2, v7;
	v9 =	vmul.f32 $8.000000000e+00, v9;
	v20 =	vld [tilespmem:s14+$0x90];
	[tilespmem:v10+s21+$0x0] =	vst.idx.msk $0xffff, v18  }
0xdd: {  	[tilespmem:v13+s21+$0x0] =	vst.idx.msk $0xffff, v14;
	v10 =	vmul.f32 $8.000000000e+00, v24;
	v14 =	vadd.s32 v2, v8;
	v24 =	vld [tilespmem:s13+$0xB0]  }
0xde: {  	v27 =	vadd.s32 v1, v22;
	v25 =	vld [tilespmem:s14+$0xFFFFFF10];
	[tilespmem:v12+s21+$0x0] =	vst.idx.msk $0xffff, v9;
	v9 =	vmul.f32 $8.000000000e+00, v16  }
0xdf: {  	v29 =	vadd.s32 v3, v5;
	v5 =	vmov v22;
	v28 =	vld [tilespmem:s14+$0xFFFFFF90];
	[tilespmem:v11+s21+$0x0] =	vst.idx.msk $0xffff, v10;
	v10 =	vmul.f32 $8.000000000e+00, v17  }
.Ltmp4:
0xe0: {  	v18 =	vadd.s32 v1, v4;
	v13 =	vld [tilespmem:s14+$0x10];
	v11 =	vmul.f32 $8.000000000e+00, v15;
	[tilespmem:v19+s21+$0x0] =	vst.idx.msk $0xffff, v9;
	(pc) =	sbr.rel @p0 .LBB2_7-.Ltmp4, $4  }
0xe1: {  	v16 =	vadd.s32 v1, v21;
	v15 =	vmul.f32 $8.000000000e+00, v20;
	v12 =	vld [tilespmem:s13+$0xFFFFFFB0];
	[tilespmem:v23+s21+$0x0] =	vst.idx.msk $0xffff, v10  }
0xe2: {  	v9 =	vmov s5;
	v10 =	vadd.s32 v1, v26;
	[tilespmem:v14+s21+$0x0] =	vst.idx.msk $0xffff, v11;
	v11 =	vld [tilespmem:s13+$0x30];
	v23 =	vmul.f32 $8.000000000e+00, v24  }
0xe3: {  	s9 =	sadd.s32 $0x3, s5;
	v9 =	vand.u32 $0x7C, v9;
	v20 =	vmul.f32 $8.000000000e+00, v25;
	[tilespmem:v27+s21+$0x0] =	vst.idx.msk $0xffff, v15;
	v14 =	vld [tilespmem:s13+$0xFFFFFF30];
	v15 =	vadd.s32 v3, v6;
	v6 =	vmovc v21;
	s13 =	smov.u32 s14;
	s14 =	sadd.s32 $0x200, s14  }
0xe4: {  	v22 =	vmov s9;
	v17 =	vadd.s32 v3, v7;
	v7 =	vmovc v26;
	s5 =	sadd.s32 $0x4, s5;
	v19 =	vld [tilespmem:s14+$0x80];
	v21 =	vmul.f32 $8.000000000e+00, v28;
	[tilespmem:v29+s21+$0x0] =	vst.idx.msk $0xffff, v23  }
0xe5: {  	s5 =	sadd.s32 $0x1, s15;
	v22 =	vand.u32 $0x7F, v22;
	v28 =	vld [tilespmem:s14+$0xFFFFFF00]  }
0xe6: {  	s12 =	sadd.s32 $0x2, s15;
	v24 =	vld [tilespmem:s14+$0xFFFFFF80];
	v23 =	vmov s5;
	v25 =	vadd.s32 v0, v22  }
0xe7: {  	v27 =	vld [tilespmem:s14+$0x0];
	v51 =	vadd.s32 v0, v9;
	v26 =	vmov s12;
	v23 =	vand.u32 $0x7D, v23  }
0xe8: {  	v26 =	vand.u32 $0x7E, v26;
	v29 =	vadd.s32 v0, v23  }
0xe9: {  	[tilespmem:v18+s21+$0x0] =	vst.idx.msk $0xffff, v20;
	v30 =	vadd.s32 v0, v26;
	v19 =	vmul.f32 $8.000000000e+00, v19  }
0xea: {  	[tilespmem:v16+s21+$0x0] =	vst.idx.msk $0xffff, v21;
	v54 =	vmul.f32 $8.000000000e+00, v28  }
0xeb: {  	v52 =	vmul.f32 $8.000000000e+00, v24;
	[tilespmem:v25+s21+$0x0] =	vst.idx.msk $0xffff, v19  }
0xec: {  	v53 =	vmul.f32 $8.000000000e+00, v27;
	v55 =	vld [tilespmem:s14+$0x90];
	[tilespmem:v51+s21+$0x0] =	vst.idx.msk $0xffff, v54  }
0xed: {  	v13 =	vmul.f32 $8.000000000e+00, v13;
	v8 =	vadd.s32 v3, v8;
	[tilespmem:v29+s21+$0x0] =	vst.idx.msk $0xffff, v52;
	v59 =	vld [tilespmem:s14+$0xFFFFFF10]  }
0xee: {  	v12 =	vmul.f32 $8.000000000e+00, v12;
	v57 =	vadd.s32 v1, v22;
	[tilespmem:v30+s21+$0x0] =	vst.idx.msk $0xffff, v53;
	v56 =	vld [tilespmem:s14+$0xFFFFFF90]  }
0xef: {  	[tilespmem:v10+s21+$0x0] =	vst.idx.msk $0xffff, v13;
	v58 =	vmul.f32 $8.000000000e+00, v11;
	v28 =	vadd.s32 v1, v9;
	v19 =	vld [tilespmem:s14+$0x10]  }
0xf0: {  	v61 =	vld [tilespmem:s13+$0xA0];
	v60 =	vadd.s32 v1, v23;
	v14 =	vmul.f32 $8.000000000e+00, v14;
	[tilespmem:v15+s21+$0x0] =	vst.idx.msk $0xffff, v12  }
0xf1: {  	v32 =	vld [tilespmem:s13+$0xFFFFFF20];
	v62 =	vadd.s32 v1, v26;
	[tilespmem:v17+s21+$0x0] =	vst.idx.msk $0xffff, v58;
	v16 =	vmul.f32 $8.000000000e+00, v55  }
0xf2: {  	[tilespmem:v8+s21+$0x0] =	vst.idx.msk $0xffff, v14;
	v29 =	vadd.s32 v2, v5;
	v30 =	vld [tilespmem:s13+$0x20];
	v11 =	vmul.f32 $8.000000000e+00, v59  }
0xf3: {  	v38 =	vadd.s32 v2, v4;
	v63 =	vld [tilespmem:s13+$0xFFFFFFA0];
	v31 =	vmul.f32 $8.000000000e+00, v56;
	[tilespmem:v57+s21+$0x0] =	vst.idx.msk $0xffff, v16  }
0xf4: {  	v35 =	vadd.s32 v2, v7;
	v34 =	vmul.f32 $8.000000000e+00, v19;
	v36 =	vld [tilespmem:s14+$0xA0];
	[tilespmem:v28+s21+$0x0] =	vst.idx.msk $0xffff, v11  }
0xf5: {  	v33 =	vadd.s32 v2, v6;
	v37 =	vmul.f32 $8.000000000e+00, v61;
	[tilespmem:v60+s21+$0x0] =	vst.idx.msk $0xffff, v31;
	v43 =	vld [tilespmem:s14+$0xFFFFFF20]  }
0xf6: {  	v40 =	vadd.s32 v2, v22;
	v14 =	vmul.f32 $8.000000000e+00, v32;
	[tilespmem:v62+s21+$0x0] =	vst.idx.msk $0xffff, v34;
	v39 =	vld [tilespmem:s14+$0xFFFFFFA0]  }
0xf7: {  	v48 =	vadd.s32 v2, v9;
	[tilespmem:v29+s21+$0x0] =	vst.idx.msk $0xffff, v37;
	v42 =	vmul.f32 $8.000000000e+00, v30;
	v41 =	vld [tilespmem:s14+$0x20]  }
0xf8: {  	v44 =	vadd.s32 v2, v23;
	v15 =	vmul.f32 $8.000000000e+00, v63;
	[tilespmem:v38+s21+$0x0] =	vst.idx.msk $0xffff, v14;
	v45 =	vld [tilespmem:s13+$0xB0]  }
0xf9: {  	v46 =	vadd.s32 v2, v26;
	v14 =	vld [tilespmem:s13+$0xFFFFFF30];
	[tilespmem:v35+s21+$0x0] =	vst.idx.msk $0xffff, v42;
	v47 =	vmul.f32 $8.000000000e+00, v36  }
0xfa: {  	v5 =	vadd.s32 v3, v5;
	[tilespmem:v33+s21+$0x0] =	vst.idx.msk $0xffff, v15;
	v49 =	vld [tilespmem:s13+$0x30];
	v53 =	vmul.f32 $8.000000000e+00, v43  }
0xfb: {  	v4 =	vadd.s32 v3, v4;
	v21 =	vld [tilespmem:s13+$0xFFFFFFB0];
	v12 =	vmul.f32 $8.000000000e+00, v39;
	[tilespmem:v40+s21+$0x0] =	vst.idx.msk $0xffff, v47  }
0xfc: {  	v52 =	vadd.s32 v3, v7;
	v51 =	vmul.f32 $8.000000000e+00, v41;
	v10 =	vld [tilespmem:s14+$0xB0];
	[tilespmem:v48+s21+$0x0] =	vst.idx.msk $0xffff, v53  }
0xfd: {  	v50 =	vadd.s32 v3, v6;
	v54 =	vmul.f32 $8.000000000e+00, v45;
	[tilespmem:v44+s21+$0x0] =	vst.idx.msk $0xffff, v12;
	v59 =	vld [tilespmem:s14+$0xFFFFFF30]  }
0xfe: {  	v57 =	vadd.s32 v3, v22;
	v14 =	vmul.f32 $8.000000000e+00, v14;
	[tilespmem:v46+s21+$0x0] =	vst.idx.msk $0xffff, v51;
	v55 =	vld [tilespmem:s14+$0xFFFFFFB0]  }
0xff: {  	v62 =	vadd.s32 v3, v9;
	[tilespmem:v5+s21+$0x0] =	vst.idx.msk $0xffff, v54;
	v5 =	vmul.f32 $8.000000000e+00, v49;
	v58 =	vld [tilespmem:s14+$0x30]  }
0x100: {  	v56 =	vmul.f32 $8.000000000e+00, v21;
	v60 =	vadd.s32 v3, v23;
	[tilespmem:v4+s21+$0x0] =	vst.idx.msk $0xffff, v14  }
0x101: {  	v61 =	vadd.s32 v3, v26;
	[tilespmem:v52+s21+$0x0] =	vst.idx.msk $0xffff, v5;
	v5 =	vmul.f32 $8.000000000e+00, v10  }
0x102: {  	[tilespmem:v50+s21+$0x0] =	vst.idx.msk $0xffff, v56;
	v63 =	vmul.f32 $8.000000000e+00, v59  }
0x103: {  	v4 =	vmul.f32 $8.000000000e+00, v55;
	[tilespmem:v57+s21+$0x0] =	vst.idx.msk $0xffff, v5  }
0x104: {  	v5 =	vmul.f32 $8.000000000e+00, v58;
	[tilespmem:v62+s21+$0x0] =	vst.idx.msk $0xffff, v63  }
0x105: {  	[tilespmem:v60+s21+$0x0] =	vst.idx.msk $0xffff, v4  }
0x106: {  	s9 =	sadd.s32 s11, s7;
	s13 =	simm.s32 $0x18600;
	[tilespmem:v61+s21+$0x0] =	vst.idx.msk $0xffff, v5  }
0x107: {  	[hbm4b:s9+s3] =	stream.linear.scatter [tilespmem:s13], [sflag:$0x6], $0x80, $0x38;
	[tilespmem:$0x1EC00] =	vst v63  }
0x108: {  	s15 =	sadd.s32 $0x10, s9;
	s14 =	simm.s32 $0x18688  }
0x109: {  	[hbm4b:s15+s3] =	stream.linear.scatter [tilespmem:s14], [sflag:$0x6], $0x80, $0x38;
	[tilespmem:$0x1EC00] =	vst v63  }
0x10a: {  	s26 =	simm.s32 $0x18710;
	s12 =	sadd.s32 $0x20, s9  }
0x10b: {  	[hbm4b:s12+s3] =	stream.linear.scatter [tilespmem:s26], [sflag:$0x6], $0x80, $0x38;
	[tilespmem:$0x1EC00] =	vst v63  }
0x10c: {  	s14 =	simm.s32 $0x18798;
	s15 =	sadd.s32 $0x30, s9  }
0x10d: {  	[hbm4b:s15+s3] =	stream.linear.scatter [tilespmem:s14], [sflag:$0x6], $0x80, $0x38;
	[tilespmem:$0x1EC00] =	vst v63  }
0x10e: {  	s26 =	simm.s32 $0x18820;
	s12 =	sadd.s32 $0x40, s9  }
0x10f: {  	[hbm4b:s12+s3] =	stream.linear.scatter [tilespmem:s26], [sflag:$0x6], $0x80, $0x38;
	[tilespmem:$0x1EC00] =	vst v63  }
0x110: {  	s5 =	simm.s32 $0x440;
	s13 =	simm.s32 $0x188A8;
	s14 =	sadd.s32 $0x50, s9  }
0x111: {  	[hbm4b:s14+s3] =	stream.linear.scatter [tilespmem:s13], [sflag:$0x6], $0x80, $0x38;
	[tilespmem:$0x1EC00] =	vst v63  }
0x112: {  	s15 =	simm.s32 $0x18930;
	s26 =	sadd.s32 $0x60, s9;
	s13 =	simm.s32 $0x2200  }
0x113: {  	[hbm4b:s26+s3] =	stream.linear.scatter [tilespmem:s15], [sflag:$0x6], $0x80, $0x38;
	[tilespmem:$0x1EC00] =	vst v63  }
0x114: {  	s14 =	simm.s32 $0x189B8;
	s15 =	sadd.s32 $0x70, s9;
	s9 =	sadd.s32 $0x1000, s9  }
.LBB2_9:
0x115: {  	[hbm4b:s15+s3] =	stream.linear.scatter [tilespmem:s14], [sflag:$0x6], $0x80, $0x38;
	[tilespmem:$0x1EC00] =	vst v63  }
0x116: {  	s14 =	smov.u32 s5;
	s5 =	smov.u32 s13  }
0x117: {  	s12 =	sadd.s32 $0x1100, s13;
	s5 =	sshra.s32 s5, $0x2;
	s15 =	sadd.s32 $0x18600, s14  }
0x118: {  	[hbm4b:s9+s3] =	stream.linear.scatter [tilespmem:s15], [sflag:$0x6], $0x80, $0x38;
	[tilespmem:$0x1EC00] =	vst v63  }
0x119: {  	p0 =	sne.s32 s13, $0x7700;
	s13 =	sadd.s32 $0x18688, s14;
	s15 =	sadd.s32 $0x10, s9  }
0x11a: {  	[hbm4b:s15+s3] =	stream.linear.scatter [tilespmem:s13], [sflag:$0x6], $0x80, $0x38;
	[tilespmem:$0x1EC00] =	vst v63  }
0x11b: {  	s13 =	sadd.s32 $0x18710, s14;
	s15 =	sadd.s32 $0x20, s9  }
0x11c: {  	[hbm4b:s15+s3] =	stream.linear.scatter [tilespmem:s13], [sflag:$0x6], $0x80, $0x38;
	[tilespmem:$0x1EC00] =	vst v63  }
0x11d: {  	s13 =	sadd.s32 $0x18798, s14;
	s15 =	sadd.s32 $0x30, s9  }
0x11e: {  	[hbm4b:s15+s3] =	stream.linear.scatter [tilespmem:s13], [sflag:$0x6], $0x80, $0x38;
	[tilespmem:$0x1EC00] =	vst v63  }
0x11f: {  	s13 =	sadd.s32 $0x18820, s14;
	s15 =	sadd.s32 $0x40, s9  }
0x120: {  	[hbm4b:s15+s3] =	stream.linear.scatter [tilespmem:s13], [sflag:$0x6], $0x80, $0x38;
	[tilespmem:$0x1EC00] =	vst v63  }
.Ltmp5:
0x121: {  	s13 =	sadd.s32 $0x188A8, s14;
	s15 =	sadd.s32 $0x50, s9;
	(pc) =	sbr.rel @p0 .LBB2_9-.Ltmp5, $4  }
0x122: {  	[hbm4b:s15+s3] =	stream.linear.scatter [tilespmem:s13], [sflag:$0x6], $0x80, $0x38;
	[tilespmem:$0x1EC00] =	vst v63  }
0x123: {  	s13 =	sadd.s32 $0x18930, s14;
	s15 =	sadd.s32 $0x60, s9;
	s14 =	sadd.s32 $0x189B8, s14  }
0x124: {  	[hbm4b:s15+s3] =	stream.linear.scatter [tilespmem:s13], [sflag:$0x6], $0x80, $0x38;
	[tilespmem:$0x1EC00] =	vst v63  }
0x125: {  	s15 =	sadd.s32 $0x70, s9;
	s9 =	sadd.s32 $0x1000, s9;
	s13 =	smov.u32 s12  }
0x126: {  	[hbm4b:s15+s3] =	stream.linear.scatter [tilespmem:s14], [sflag:$0x6], $0x80, $0x38;
	[tilespmem:$0x1EC00] =	vst v63  }
0x127: {  	s12 =	sadd.s32 $0x18600, s5  }
0x128: {  	[hbm4b:s9+s3] =	stream.linear.scatter [tilespmem:s12], [sflag:$0x6], $0x80, $0x38;
	[tilespmem:$0x1EC00] =	vst v63  }
0x129: {  	s14 =	sadd.s32 $0x18688, s5;
	s13 =	sadd.s32 $0x10, s9  }
0x12a: {  	[hbm4b:s13+s3] =	stream.linear.scatter [tilespmem:s14], [sflag:$0x6], $0x80, $0x38;
	[tilespmem:$0x1EC00] =	vst v63  }
0x12b: {  	s15 =	sadd.s32 $0x18710, s5;
	s26 =	sadd.s32 $0x20, s9  }
0x12c: {  	[hbm4b:s26+s3] =	stream.linear.scatter [tilespmem:s15], [sflag:$0x6], $0x80, $0x38;
	[tilespmem:$0x1EC00] =	vst v63  }
0x12d: {  	s13 =	sadd.s32 $0x18798, s5;
	s14 =	sadd.s32 $0x30, s9  }
0x12e: {  	[hbm4b:s14+s3] =	stream.linear.scatter [tilespmem:s13], [sflag:$0x6], $0x80, $0x38;
	[tilespmem:$0x1EC00] =	vst v63  }
0x12f: {  	s15 =	sadd.s32 $0x18820, s5;
	s26 =	sadd.s32 $0x40, s9  }
0x130: {  	[hbm4b:s26+s3] =	stream.linear.scatter [tilespmem:s15], [sflag:$0x6], $0x80, $0x38;
	[tilespmem:$0x1EC00] =	vst v63  }
0x131: {  	s13 =	sadd.s32 $0x188A8, s5;
	s14 =	sadd.s32 $0x50, s9  }
0x132: {  	[hbm4b:s14+s3] =	stream.linear.scatter [tilespmem:s13], [sflag:$0x6], $0x80, $0x38;
	[tilespmem:$0x1EC00] =	vst v63  }
0x133: {  	p0 =	seq.s32 s0, $0x31;
	s15 =	sadd.s32 $0x18930, s5;
	s26 =	sadd.s32 $0x60, s9  }
0x134: {  	[hbm4b:s26+s3] =	stream.linear.scatter [tilespmem:s15], [sflag:$0x6], $0x80, $0x38;
	[tilespmem:$0x1EC00] =	vst v63  }
0x135: {  	s13 =	sadd.s32 $0x189B8, s5;
	s14 =	sadd.s32 $0x70, s9;
	s5 =	simm.s32 @!p0 $0x5  }
0x136: {  	[hbm4b:s14+s3] =	stream.linear.scatter [tilespmem:s13], [sflag:$0x6], $0x80, $0x38;
	[tilespmem:$0x1EC00] =	vst v63  }
0x137: {  	s9 =	sshll.u32 @!p0 s0, $0x9;
	_ =	swait.ge @!p0 [sflag:s5], $0x2000  }
0x138: {  	s12 =	simm.s32 @!p0 $0x6400;
	s13 =	sand.u32 @!p0 $0x3FFFFE00, s9;
	[sflag:s5] =	ssyncset.done @!p0 $0x0  }
0x139: {  	s9 =	simm.s32 @!p0 $0x80;
	[sflag:s5] =	ssyncadd.s32 @!p0 $0xFFFFE000;
	s5 =	sadd.s32 @!p0 $0x200, s13  }
0x13a: {  	[tilespmem:s12], [sflag:$0x1] =	stream.indirect.gather @!p0 [hbm4b:s4+s9], $0x80, s5, s9, $0xb8;
	[tilespmem:$0x1EC00] =	vst v63  }
0x13b: {  	_ =	swait.ge [sflag:s22], $0x4000  }
0x13c: {  	[sflag:s22] =	ssyncset.done $0x0  }
0x13d: {  	s15 =	simm.s32 $0x3;
	s9 =	simm.s32 $0xE500;
	[sflag:s22] =	ssyncadd.s32 $0xFFFFC000  }
0x13e: {  	v4 =	vmov s15;
	v5 =	vld [tilespmem:s9+$0x80]  }
0x13f: {  	v9 =	vand.u32 $0x7F, v4  }
0x140: {  	s26 =	simm.s32 $0x0;
	v4 =	vadd.s32 v0, v9  }
0x141: {  	v6 =	vmov s26;
	s14 =	simm.s32 $0x2;
	s12 =	simm.s32 $0x1;
	v7 =	vld [tilespmem:s9+$0xFFFFFF00]  }
0x142: {  	v8 =	vand.u32 $0x7C, v6;
	v11 =	vmov s14;
	v6 =	vmov s12;
	v10 =	vld [tilespmem:s9+$0xFFFFFF80]  }
0x143: {  	v12 =	vadd.s32 v0, v8;
	v15 =	vand.u32 $0x7D, v6;
	v6 =	vld [tilespmem:s9+$0x0];
	v5 =	vmul.f32 $8.000000000e+00, v5  }
0x144: {  	v17 =	vand.u32 $0x7E, v11;
	v13 =	vadd.s32 v0, v15  }
0x145: {  	v11 =	vadd.s32 v0, v17;
	[tilespmem:v4+s23+$0x0] =	vst.idx.msk $0xffff, v5  }
0x146: {  	v4 =	vmul.f32 $8.000000000e+00, v7;
	v5 =	vld [tilespmem:s9+$0x90]  }
0x147: {  	v7 =	vmul.f32 $8.000000000e+00, v10  }
0x148: {  	[tilespmem:v12+s23+$0x0] =	vst.idx.msk $0xffff, v4;
	v4 =	vmul.f32 $8.000000000e+00, v6;
	v6 =	vadd.s32 v1, v9  }
0x149: {  	[tilespmem:v13+s23+$0x0] =	vst.idx.msk $0xffff, v7;
	v10 =	vld [tilespmem:s9+$0xFFFFFF10]  }
0x14a: {  	v7 =	vld [tilespmem:s9+$0xFFFFFF90];
	[tilespmem:v11+s23+$0x0] =	vst.idx.msk $0xffff, v4  }
0x14b: {  	v11 =	vld [tilespmem:s9+$0x10];
	v4 =	vmul.f32 $8.000000000e+00, v5  }
0x14c: {  	s15 =	simm.s32 $0x4;
	s26 =	simm.s32 $0x7;
	s14 =	simm.s32 $0xE700;
	v12 =	vadd.s32 v1, v15  }
0x14d: {  	v14 =	vld [tilespmem:s14+$0x80];
	v13 =	vadd.s32 v1, v17;
	v5 =	vmov s15;
	[tilespmem:v6+s23+$0x0] =	vst.idx.msk $0xffff, v4;
	v6 =	vmov s26  }
0x14e: {  	v16 =	vadd.s32 v1, v8;
	v4 =	vand.u32 $0x7C, v5;
	v5 =	vand.u32 $0x7F, v6;
	v18 =	vld [tilespmem:s9+$0xA0]  }
0x14f: {  	v22 =	vadd.s32 v2, v9;
	s12 =	simm.s32 $0x5;
	v19 =	vld [tilespmem:s14+$0xFFFFFF00];
	v6 =	vmul.f32 $8.000000000e+00, v7;
	v20 =	vadd.s32 v0, v5  }
0x150: {  	v21 =	vld [tilespmem:s14+$0xFFFFFF80];
	s15 =	simm.s32 $0x6;
	v10 =	vmul.f32 $8.000000000e+00, v10;
	v7 =	vmul.f32 $8.000000000e+00, v11;
	v11 =	vmov s12  }
0x151: {  	v23 =	vadd.s32 v0, v4;
	[tilespmem:v12+s23+$0x0] =	vst.idx.msk $0xffff, v6;
	v12 =	vmov s15;
	v6 =	vand.u32 $0x7D, v11;
	v11 =	vld [tilespmem:s14+$0x0]  }
0x152: {  	[tilespmem:v13+s23+$0x0] =	vst.idx.msk $0xffff, v7;
	v13 =	vadd.s32 v0, v6;
	v7 =	vand.u32 $0x7E, v12;
	v12 =	vmul.f32 $8.000000000e+00, v14;
	v14 =	vld [tilespmem:s9+$0xFFFFFFA0]  }
0x153: {  	[tilespmem:v16+s23+$0x0] =	vst.idx.msk $0xffff, v10;
	v10 =	vadd.s32 v0, v7;
	v16 =	vld [tilespmem:s9+$0x20];
	v18 =	vmul.f32 $8.000000000e+00, v18  }
0x154: {  	v19 =	vmul.f32 $8.000000000e+00, v19;
	[tilespmem:v20+s23+$0x0] =	vst.idx.msk $0xffff, v12;
	v12 =	vld [tilespmem:s9+$0xFFFFFF20];
	v20 =	vadd.s32 v2, v15  }
0x155: {  	v25 =	vadd.s32 v2, v17;
	v21 =	vmul.f32 $8.000000000e+00, v21;
	v24 =	vld [tilespmem:s14+$0x90];
	[tilespmem:v22+s23+$0x0] =	vst.idx.msk $0xffff, v18  }
0x156: {  	[tilespmem:v23+s23+$0x0] =	vst.idx.msk $0xffff, v19;
	v19 =	vadd.s32 v2, v8;
	v11 =	vmul.f32 $8.000000000e+00, v11;
	v22 =	vld [tilespmem:s9+$0xB0]  }
0x157: {  	v23 =	vld [tilespmem:s14+$0xFFFFFF10];
	[tilespmem:v13+s23+$0x0] =	vst.idx.msk $0xffff, v21;
	v21 =	vadd.s32 v1, v5;
	v14 =	vmul.f32 $8.000000000e+00, v14  }
0x158: {  	v27 =	vadd.s32 v3, v9;
	v26 =	vld [tilespmem:s14+$0xFFFFFF90];
	[tilespmem:v10+s23+$0x0] =	vst.idx.msk $0xffff, v11;
	v10 =	vmul.f32 $8.000000000e+00, v16  }
0x159: {  	v18 =	vadd.s32 v1, v4;
	v13 =	vld [tilespmem:s14+$0x10];
	v9 =	vmul.f32 $8.000000000e+00, v12;
	[tilespmem:v20+s23+$0x0] =	vst.idx.msk $0xffff, v14  }
0x15a: {  	s5 =	simm.s32 $0x8;
	v16 =	vadd.s32 v1, v6;
	[tilespmem:v25+s23+$0x0] =	vst.idx.msk $0xffff, v10;
	v14 =	vmul.f32 $8.000000000e+00, v24;
	v12 =	vld [tilespmem:s9+$0xFFFFFFB0]  }
0x15b: {  	v20 =	vmov s5;
	v10 =	vadd.s32 v1, v7;
	v11 =	vld [tilespmem:s9+$0x30];
	[tilespmem:v19+s23+$0x0] =	vst.idx.msk $0xffff, v9;
	v63 =	vmul.f32 $8.000000000e+00, v22  }
0x15c: {  	s26 =	simm.s32 $0xB;
	s15 =	simm.s32 $0xE900;
	v15 =	vadd.s32 v3, v15;
	v9 =	vand.u32 $0x7C, v20;
	v20 =	vmul.f32 $8.000000000e+00, v23;
	[tilespmem:v21+s23+$0x0] =	vst.idx.msk $0xffff, v14;
	v14 =	vld [tilespmem:s9+$0xFFFFFF30]  }
0x15d: {  	v17 =	vadd.s32 v3, v17;
	v22 =	vmov s26;
	v19 =	vld [tilespmem:s15+$0x80];
	s9 =	simm.s32 $0xC;
	v21 =	vmul.f32 $8.000000000e+00, v26;
	[tilespmem:v27+s23+$0x0] =	vst.idx.msk $0xffff, v63  }
.LBB2_11:
0x15e: {  	p1 =	slt.u32 s9, $0x7C;
	s12 =	sadd.s32 $0x1, s5;
	v22 =	vand.u32 $0x7F, v22;
	[tilespmem:v18+s23+$0x0] =	vst.idx.msk $0xffff, v20;
	v13 =	vmul.f32 $8.000000000e+00, v13;
	v18 =	vld [tilespmem:s14+$0xA0];
	v20 =	vadd.s32 v3, v8;
	v8 =	vmovc v4  }
0x15f: {  	v4 =	vmovc v9;
	v23 =	vld [tilespmem:s15+$0xFFFFFF00];
	v24 =	vmov s12;
	s12 =	sadd.s32 $0x2, s5;
	v25 =	vadd.s32 v0, v22;
	[tilespmem:v16+s23+$0x0] =	vst.idx.msk $0xffff, v21;
	v12 =	vmul.f32 $8.000000000e+00, v12;
	s5 =	smov.u32 s9  }
0x160: {  	v9 =	vld [tilespmem:s15+$0xFFFFFF80];
	v16 =	vmov s12;
	[tilespmem:v10+s23+$0x0] =	vst.idx.msk $0xffff, v13;
	v10 =	vadd.s32 v2, v5;
	v11 =	vmul.f32 $8.000000000e+00, v11  }
0x161: {  	v13 =	vadd.s32 v0, v4;
	v21 =	vand.u32 $0x7D, v24;
	v24 =	vld [tilespmem:s15+$0x0];
	v14 =	vmul.f32 $8.000000000e+00, v14;
	[tilespmem:v15+s23+$0x0] =	vst.idx.msk $0xffff, v12  }
0x162: {  	v12 =	vadd.s32 v0, v21;
	v26 =	vand.u32 $0x7E, v16;
	v15 =	vmul.f32 $8.000000000e+00, v19;
	v16 =	vld [tilespmem:s14+$0xFFFFFFA0];
	[tilespmem:v17+s23+$0x0] =	vst.idx.msk $0xffff, v11  }
0x163: {  	v11 =	vadd.s32 v0, v26;
	v17 =	vld [tilespmem:s14+$0x20];
	v18 =	vmul.f32 $8.000000000e+00, v18;
	[tilespmem:v20+s23+$0x0] =	vst.idx.msk $0xffff, v14  }
0x164: {  	v19 =	vadd.s32 v2, v6;
	v14 =	vmul.f32 $8.000000000e+00, v23;
	[tilespmem:v25+s23+$0x0] =	vst.idx.msk $0xffff, v15;
	v15 =	vld [tilespmem:s14+$0xFFFFFF20]  }
0x165: {  	v23 =	vadd.s32 v2, v7;
	v9 =	vmul.f32 $8.000000000e+00, v9;
	v20 =	vld [tilespmem:s15+$0x90];
	[tilespmem:v10+s23+$0x0] =	vst.idx.msk $0xffff, v18  }
0x166: {  	[tilespmem:v13+s23+$0x0] =	vst.idx.msk $0xffff, v14;
	v10 =	vmul.f32 $8.000000000e+00, v24;
	v14 =	vadd.s32 v2, v8;
	v24 =	vld [tilespmem:s14+$0xB0]  }
0x167: {  	v27 =	vadd.s32 v1, v22;
	v25 =	vld [tilespmem:s15+$0xFFFFFF10];
	[tilespmem:v12+s23+$0x0] =	vst.idx.msk $0xffff, v9;
	v9 =	vmul.f32 $8.000000000e+00, v16  }
0x168: {  	v29 =	vadd.s32 v3, v5;
	v5 =	vmov v22;
	v28 =	vld [tilespmem:s15+$0xFFFFFF90];
	[tilespmem:v11+s23+$0x0] =	vst.idx.msk $0xffff, v10;
	v10 =	vmul.f32 $8.000000000e+00, v17  }
.Ltmp6:
0x169: {  	v18 =	vadd.s32 v1, v4;
	v13 =	vld [tilespmem:s15+$0x10];
	v11 =	vmul.f32 $8.000000000e+00, v15;
	[tilespmem:v19+s23+$0x0] =	vst.idx.msk $0xffff, v9;
	(pc) =	sbr.rel @p1 .LBB2_11-.Ltmp6, $4  }
0x16a: {  	v16 =	vadd.s32 v1, v21;
	v15 =	vmul.f32 $8.000000000e+00, v20;
	v12 =	vld [tilespmem:s14+$0xFFFFFFB0];
	[tilespmem:v23+s23+$0x0] =	vst.idx.msk $0xffff, v10  }
0x16b: {  	v9 =	vmov s9;
	v10 =	vadd.s32 v1, v26;
	[tilespmem:v14+s23+$0x0] =	vst.idx.msk $0xffff, v11;
	v11 =	vld [tilespmem:s14+$0x30];
	v23 =	vmul.f32 $8.000000000e+00, v24  }
0x16c: {  	s12 =	sadd.s32 $0x3, s9;
	v9 =	vand.u32 $0x7C, v9;
	v20 =	vmul.f32 $8.000000000e+00, v25;
	[tilespmem:v27+s23+$0x0] =	vst.idx.msk $0xffff, v15;
	v14 =	vld [tilespmem:s14+$0xFFFFFF30];
	v15 =	vadd.s32 v3, v6;
	v6 =	vmovc v21;
	s14 =	smov.u32 s15;
	s15 =	sadd.s32 $0x200, s15  }
0x16d: {  	v22 =	vmov s12;
	v17 =	vadd.s32 v3, v7;
	v7 =	vmovc v26;
	s9 =	sadd.s32 $0x4, s9;
	v19 =	vld [tilespmem:s15+$0x80];
	v21 =	vmul.f32 $8.000000000e+00, v28;
	[tilespmem:v29+s23+$0x0] =	vst.idx.msk $0xffff, v23  }
0x16e: {  	s9 =	sadd.s32 $0x1, s5;
	v22 =	vand.u32 $0x7F, v22;
	v28 =	vld [tilespmem:s15+$0xFFFFFF00]  }
0x16f: {  	v24 =	vld [tilespmem:s15+$0xFFFFFF80];
	v23 =	vmov s9;
	s9 =	sadd.s32 $0x2, s5;
	v25 =	vadd.s32 v0, v22  }
0x170: {  	v27 =	vld [tilespmem:s15+$0x0];
	v51 =	vadd.s32 v0, v9;
	v26 =	vmov s9;
	v23 =	vand.u32 $0x7D, v23  }
0x171: {  	v29 =	vadd.s32 v0, v23;
	v26 =	vand.u32 $0x7E, v26  }
0x172: {  	[tilespmem:v18+s23+$0x0] =	vst.idx.msk $0xffff, v20;
	v30 =	vadd.s32 v0, v26;
	v19 =	vmul.f32 $8.000000000e+00, v19  }
0x173: {  	[tilespmem:v16+s23+$0x0] =	vst.idx.msk $0xffff, v21;
	v54 =	vmul.f32 $8.000000000e+00, v28  }
0x174: {  	v52 =	vmul.f32 $8.000000000e+00, v24;
	[tilespmem:v25+s23+$0x0] =	vst.idx.msk $0xffff, v19  }
0x175: {  	v53 =	vmul.f32 $8.000000000e+00, v27;
	v55 =	vld [tilespmem:s15+$0x90];
	[tilespmem:v51+s23+$0x0] =	vst.idx.msk $0xffff, v54  }
0x176: {  	v13 =	vmul.f32 $8.000000000e+00, v13;
	v8 =	vadd.s32 v3, v8;
	[tilespmem:v29+s23+$0x0] =	vst.idx.msk $0xffff, v52;
	v59 =	vld [tilespmem:s15+$0xFFFFFF10]  }
0x177: {  	v12 =	vmul.f32 $8.000000000e+00, v12;
	v57 =	vadd.s32 v1, v22;
	v56 =	vld [tilespmem:s15+$0xFFFFFF90];
	[tilespmem:v30+s23+$0x0] =	vst.idx.msk $0xffff, v53  }
0x178: {  	[tilespmem:v10+s23+$0x0] =	vst.idx.msk $0xffff, v13;
	v58 =	vmul.f32 $8.000000000e+00, v11;
	v28 =	vadd.s32 v1, v9;
	v19 =	vld [tilespmem:s15+$0x10]  }
0x179: {  	v61 =	vld [tilespmem:s14+$0xA0];
	v60 =	vadd.s32 v1, v23;
	v14 =	vmul.f32 $8.000000000e+00, v14;
	[tilespmem:v15+s23+$0x0] =	vst.idx.msk $0xffff, v12  }
0x17a: {  	v32 =	vld [tilespmem:s14+$0xFFFFFF20];
	v62 =	vadd.s32 v1, v26;
	[tilespmem:v17+s23+$0x0] =	vst.idx.msk $0xffff, v58;
	v16 =	vmul.f32 $8.000000000e+00, v55  }
0x17b: {  	[tilespmem:v8+s23+$0x0] =	vst.idx.msk $0xffff, v14;
	v29 =	vadd.s32 v2, v5;
	v30 =	vld [tilespmem:s14+$0x20];
	v11 =	vmul.f32 $8.000000000e+00, v59  }
0x17c: {  	v38 =	vadd.s32 v2, v4;
	v63 =	vld [tilespmem:s14+$0xFFFFFFA0];
	v31 =	vmul.f32 $8.000000000e+00, v56;
	[tilespmem:v57+s23+$0x0] =	vst.idx.msk $0xffff, v16  }
0x17d: {  	v35 =	vadd.s32 v2, v7;
	v34 =	vmul.f32 $8.000000000e+00, v19;
	v36 =	vld [tilespmem:s15+$0xA0];
	[tilespmem:v28+s23+$0x0] =	vst.idx.msk $0xffff, v11  }
0x17e: {  	v33 =	vadd.s32 v2, v6;
	v37 =	vmul.f32 $8.000000000e+00, v61;
	[tilespmem:v60+s23+$0x0] =	vst.idx.msk $0xffff, v31;
	v43 =	vld [tilespmem:s15+$0xFFFFFF20]  }
0x17f: {  	v40 =	vadd.s32 v2, v22;
	v14 =	vmul.f32 $8.000000000e+00, v32;
	[tilespmem:v62+s23+$0x0] =	vst.idx.msk $0xffff, v34;
	v39 =	vld [tilespmem:s15+$0xFFFFFFA0]  }
0x180: {  	v48 =	vadd.s32 v2, v9;
	[tilespmem:v29+s23+$0x0] =	vst.idx.msk $0xffff, v37;
	v42 =	vmul.f32 $8.000000000e+00, v30;
	v41 =	vld [tilespmem:s15+$0x20]  }
0x181: {  	v44 =	vadd.s32 v2, v23;
	v15 =	vmul.f32 $8.000000000e+00, v63;
	[tilespmem:v38+s23+$0x0] =	vst.idx.msk $0xffff, v14;
	v45 =	vld [tilespmem:s14+$0xB0]  }
0x182: {  	v46 =	vadd.s32 v2, v26;
	v14 =	vld [tilespmem:s14+$0xFFFFFF30];
	[tilespmem:v35+s23+$0x0] =	vst.idx.msk $0xffff, v42;
	v47 =	vmul.f32 $8.000000000e+00, v36  }
0x183: {  	v5 =	vadd.s32 v3, v5;
	[tilespmem:v33+s23+$0x0] =	vst.idx.msk $0xffff, v15;
	v49 =	vld [tilespmem:s14+$0x30];
	v53 =	vmul.f32 $8.000000000e+00, v43  }
0x184: {  	v4 =	vadd.s32 v3, v4;
	v21 =	vld [tilespmem:s14+$0xFFFFFFB0];
	v12 =	vmul.f32 $8.000000000e+00, v39;
	[tilespmem:v40+s23+$0x0] =	vst.idx.msk $0xffff, v47  }
0x185: {  	v52 =	vadd.s32 v3, v7;
	v51 =	vmul.f32 $8.000000000e+00, v41;
	v10 =	vld [tilespmem:s15+$0xB0];
	[tilespmem:v48+s23+$0x0] =	vst.idx.msk $0xffff, v53  }
0x186: {  	v50 =	vadd.s32 v3, v6;
	v54 =	vmul.f32 $8.000000000e+00, v45;
	[tilespmem:v44+s23+$0x0] =	vst.idx.msk $0xffff, v12;
	v59 =	vld [tilespmem:s15+$0xFFFFFF30]  }
0x187: {  	v57 =	vadd.s32 v3, v22;
	v14 =	vmul.f32 $8.000000000e+00, v14;
	v55 =	vld [tilespmem:s15+$0xFFFFFFB0];
	[tilespmem:v46+s23+$0x0] =	vst.idx.msk $0xffff, v51  }
0x188: {  	v62 =	vadd.s32 v3, v9;
	[tilespmem:v5+s23+$0x0] =	vst.idx.msk $0xffff, v54;
	v5 =	vmul.f32 $8.000000000e+00, v49;
	v58 =	vld [tilespmem:s15+$0x30]  }
0x189: {  	v56 =	vmul.f32 $8.000000000e+00, v21;
	v60 =	vadd.s32 v3, v23;
	[tilespmem:v4+s23+$0x0] =	vst.idx.msk $0xffff, v14  }
0x18a: {  	v61 =	vadd.s32 v3, v26;
	[tilespmem:v52+s23+$0x0] =	vst.idx.msk $0xffff, v5;
	v5 =	vmul.f32 $8.000000000e+00, v10  }
0x18b: {  	[tilespmem:v50+s23+$0x0] =	vst.idx.msk $0xffff, v56;
	v63 =	vmul.f32 $8.000000000e+00, v59  }
0x18c: {  	v4 =	vmul.f32 $8.000000000e+00, v55;
	[tilespmem:v57+s23+$0x0] =	vst.idx.msk $0xffff, v5  }
0x18d: {  	v5 =	vmul.f32 $8.000000000e+00, v58;
	[tilespmem:v62+s23+$0x0] =	vst.idx.msk $0xffff, v63  }
0x18e: {  	[tilespmem:v60+s23+$0x0] =	vst.idx.msk $0xffff, v4  }
0x18f: {  	s12 =	simm.s32 $0x1A800;
	s9 =	sadd.s32 s11, s8;
	[tilespmem:v61+s23+$0x0] =	vst.idx.msk $0xffff, v5  }
0x190: {  	[hbm4b:s9+s3] =	stream.linear.scatter [tilespmem:s12], [sflag:$0x7], $0x80, $0x38;
	[tilespmem:$0x1EC00] =	vst v63  }
0x191: {  	s11 =	sadd.s32 $0x10, s9;
	s14 =	simm.s32 $0x1A888  }
0x192: {  	[hbm4b:s11+s3] =	stream.linear.scatter [tilespmem:s14], [sflag:$0x7], $0x80, $0x38;
	[tilespmem:$0x1EC00] =	vst v63  }
0x193: {  	s26 =	sadd.s32 $0x20, s9;
	s15 =	simm.s32 $0x1A910  }
0x194: {  	[hbm4b:s26+s3] =	stream.linear.scatter [tilespmem:s15], [sflag:$0x7], $0x80, $0x38;
	[tilespmem:$0x1EC00] =	vst v63  }
0x195: {  	s12 =	simm.s32 $0x1A998;
	s14 =	sadd.s32 $0x30, s9  }
0x196: {  	[hbm4b:s14+s3] =	stream.linear.scatter [tilespmem:s12], [sflag:$0x7], $0x80, $0x38;
	[tilespmem:$0x1EC00] =	vst v63  }
0x197: {  	s15 =	simm.s32 $0x1AA20;
	s26 =	sadd.s32 $0x40, s9  }
0x198: {  	[hbm4b:s26+s3] =	stream.linear.scatter [tilespmem:s15], [sflag:$0x7], $0x80, $0x38;
	[tilespmem:$0x1EC00] =	vst v63  }
0x199: {  	s5 =	simm.s32 $0x440;
	s12 =	simm.s32 $0x1AAA8;
	s14 =	sadd.s32 $0x50, s9  }
0x19a: {  	[hbm4b:s14+s3] =	stream.linear.scatter [tilespmem:s12], [sflag:$0x7], $0x80, $0x38;
	[tilespmem:$0x1EC00] =	vst v63  }
0x19b: {  	s11 =	simm.s32 $0x2200;
	s15 =	simm.s32 $0x1AB30;
	s26 =	sadd.s32 $0x60, s9  }
0x19c: {  	[hbm4b:s26+s3] =	stream.linear.scatter [tilespmem:s15], [sflag:$0x7], $0x80, $0x38;
	[tilespmem:$0x1EC00] =	vst v63  }
0x19d: {  	s14 =	simm.s32 $0x1ABB8;
	s15 =	sadd.s32 $0x70, s9;
	s9 =	sadd.s32 $0x1000, s9  }
.LBB2_13:
0x19e: {  	[hbm4b:s15+s3] =	stream.linear.scatter [tilespmem:s14], [sflag:$0x7], $0x80, $0x38;
	[tilespmem:$0x1EC00] =	vst v63  }
0x19f: {  	s12 =	smov.u32 s5;
	s5 =	smov.u32 s11  }
0x1a0: {  	s26 =	sadd.s32 $0x1100, s11;
	s5 =	sshra.s32 s5, $0x2;
	s14 =	sadd.s32 $0x1A800, s12  }
0x1a1: {  	[hbm4b:s9+s3] =	stream.linear.scatter [tilespmem:s14], [sflag:$0x7], $0x80, $0x38;
	[tilespmem:$0x1EC00] =	vst v63  }
0x1a2: {  	p1 =	sne.s32 s11, $0x7700;
	s11 =	sadd.s32 $0x1A888, s12;
	s14 =	sadd.s32 $0x10, s9  }
0x1a3: {  	[hbm4b:s14+s3] =	stream.linear.scatter [tilespmem:s11], [sflag:$0x7], $0x80, $0x38;
	[tilespmem:$0x1EC00] =	vst v63  }
0x1a4: {  	s11 =	sadd.s32 $0x1A910, s12;
	s14 =	sadd.s32 $0x20, s9  }
0x1a5: {  	[hbm4b:s14+s3] =	stream.linear.scatter [tilespmem:s11], [sflag:$0x7], $0x80, $0x38;
	[tilespmem:$0x1EC00] =	vst v63  }
0x1a6: {  	s11 =	sadd.s32 $0x1A998, s12;
	s14 =	sadd.s32 $0x30, s9  }
0x1a7: {  	[hbm4b:s14+s3] =	stream.linear.scatter [tilespmem:s11], [sflag:$0x7], $0x80, $0x38;
	[tilespmem:$0x1EC00] =	vst v63  }
0x1a8: {  	s11 =	sadd.s32 $0x1AA20, s12;
	s14 =	sadd.s32 $0x40, s9  }
0x1a9: {  	[hbm4b:s14+s3] =	stream.linear.scatter [tilespmem:s11], [sflag:$0x7], $0x80, $0x38;
	[tilespmem:$0x1EC00] =	vst v63  }
.Ltmp7:
0x1aa: {  	s11 =	sadd.s32 $0x1AAA8, s12;
	s14 =	sadd.s32 $0x50, s9;
	(pc) =	sbr.rel @p1 .LBB2_13-.Ltmp7, $4  }
0x1ab: {  	[hbm4b:s14+s3] =	stream.linear.scatter [tilespmem:s11], [sflag:$0x7], $0x80, $0x38;
	[tilespmem:$0x1EC00] =	vst v63  }
0x1ac: {  	s15 =	sadd.s32 $0x70, s9;
	s11 =	sadd.s32 $0x1AB30, s12;
	s14 =	sadd.s32 $0x60, s9  }
0x1ad: {  	[hbm4b:s14+s3] =	stream.linear.scatter [tilespmem:s11], [sflag:$0x7], $0x80, $0x38;
	[tilespmem:$0x1EC00] =	vst v63  }
0x1ae: {  	s9 =	sadd.s32 $0x1000, s9;
	s14 =	sadd.s32 $0x1ABB8, s12;
	s11 =	smov.u32 s26  }
0x1af: {  	[hbm4b:s15+s3] =	stream.linear.scatter [tilespmem:s14], [sflag:$0x7], $0x80, $0x38;
	[tilespmem:$0x1EC00] =	vst v63  }
0x1b0: {  	s11 =	sadd.s32 $0x1A800, s5  }
0x1b1: {  	[hbm4b:s9+s3] =	stream.linear.scatter [tilespmem:s11], [sflag:$0x7], $0x80, $0x38;
	[tilespmem:$0x1EC00] =	vst v63  }
0x1b2: {  	s14 =	sadd.s32 $0x1A888, s5;
	s12 =	sadd.s32 $0x10, s9  }
0x1b3: {  	[hbm4b:s12+s3] =	stream.linear.scatter [tilespmem:s14], [sflag:$0x7], $0x80, $0x38;
	[tilespmem:$0x1EC00] =	vst v63  }
0x1b4: {  	s15 =	sadd.s32 $0x1A910, s5;
	s26 =	sadd.s32 $0x20, s9  }
0x1b5: {  	[hbm4b:s26+s3] =	stream.linear.scatter [tilespmem:s15], [sflag:$0x7], $0x80, $0x38;
	[tilespmem:$0x1EC00] =	vst v63  }
0x1b6: {  	s12 =	sadd.s32 $0x1A998, s5;
	s14 =	sadd.s32 $0x30, s9  }
0x1b7: {  	[hbm4b:s14+s3] =	stream.linear.scatter [tilespmem:s12], [sflag:$0x7], $0x80, $0x38;
	[tilespmem:$0x1EC00] =	vst v63  }
0x1b8: {  	s15 =	sadd.s32 $0x1AA20, s5;
	s26 =	sadd.s32 $0x40, s9  }
0x1b9: {  	[hbm4b:s26+s3] =	stream.linear.scatter [tilespmem:s15], [sflag:$0x7], $0x80, $0x38;
	[tilespmem:$0x1EC00] =	vst v63  }
0x1ba: {  	s12 =	sadd.s32 $0x1AAA8, s5;
	s14 =	sadd.s32 $0x50, s9  }
0x1bb: {  	[hbm4b:s14+s3] =	stream.linear.scatter [tilespmem:s12], [sflag:$0x7], $0x80, $0x38;
	[tilespmem:$0x1EC00] =	vst v63  }
0x1bc: {  	s15 =	sadd.s32 $0x1AB30, s5;
	s26 =	sadd.s32 $0x60, s9  }
0x1bd: {  	[hbm4b:s26+s3] =	stream.linear.scatter [tilespmem:s15], [sflag:$0x7], $0x80, $0x38;
	[tilespmem:$0x1EC00] =	vst v63  }
0x1be: {  	s11 =	sadd.s32 $0x1ABB8, s5;
	s5 =	simm.s32 @!p0 $0x6;
	s12 =	sadd.s32 $0x70, s9  }
0x1bf: {  	[hbm4b:s12+s3] =	stream.linear.scatter [tilespmem:s11], [sflag:$0x7], $0x80, $0x38;
	[tilespmem:$0x1EC00] =	vst v63  }
0x1c0: {  	_ =	swait.ge @!p0 [sflag:s5], $0x2000  }
0x1c1: {  	s9 =	simm.s32 @!p0 $0x80;
	[sflag:s5] =	ssyncset.done @!p0 $0x0  }
0x1c2: {  	s11 =	simm.s32 @!p0 $0xA400;
	[sflag:s5] =	ssyncadd.s32 @!p0 $0xFFFFE000;
	s5 =	sadd.s32 @!p0 $0x280, s13  }
0x1c3: {  	[tilespmem:s11], [sflag:$0x2] =	stream.indirect.gather @!p0 [hbm4b:s4+s9], $0x80, s5, s9, $0xb8;
	[tilespmem:$0x1EC00] =	vst v63  }
0x1c4: {  	_ =	swait.ge [sflag:s24], $0x4000  }
0x1c5: {  	[sflag:s24] =	ssyncset.done $0x0  }
0x1c6: {  	s13 =	simm.s32 $0x3;
	s9 =	simm.s32 $0x12500;
	[sflag:s24] =	ssyncadd.s32 $0xFFFFC000  }
0x1c7: {  	v4 =	vmov s13;
	v5 =	vld [tilespmem:s9+$0x80]  }
0x1c8: {  	v9 =	vand.u32 $0x7F, v4  }
0x1c9: {  	s14 =	simm.s32 $0x0;
	v4 =	vadd.s32 v0, v9  }
0x1ca: {  	v6 =	vmov s14;
	s15 =	simm.s32 $0x1;
	s26 =	simm.s32 $0x2;
	v7 =	vld [tilespmem:s9+$0xFFFFFF00]  }
0x1cb: {  	v8 =	vand.u32 $0x7C, v6;
	v6 =	vmov s15;
	v11 =	vmov s26;
	v10 =	vld [tilespmem:s9+$0xFFFFFF80]  }
0x1cc: {  	v12 =	vadd.s32 v0, v8;
	v15 =	vand.u32 $0x7D, v6;
	v6 =	vld [tilespmem:s9+$0x0];
	v5 =	vmul.f32 $8.000000000e+00, v5  }
0x1cd: {  	v17 =	vand.u32 $0x7E, v11;
	v13 =	vadd.s32 v0, v15  }
0x1ce: {  	v11 =	vadd.s32 v0, v17;
	[tilespmem:v4+s25+$0x0] =	vst.idx.msk $0xffff, v5  }
0x1cf: {  	v4 =	vmul.f32 $8.000000000e+00, v7;
	v5 =	vld [tilespmem:s9+$0x90]  }
0x1d0: {  	v7 =	vmul.f32 $8.000000000e+00, v10  }
0x1d1: {  	[tilespmem:v12+s25+$0x0] =	vst.idx.msk $0xffff, v4;
	v4 =	vmul.f32 $8.000000000e+00, v6;
	v6 =	vadd.s32 v1, v9  }
0x1d2: {  	[tilespmem:v13+s25+$0x0] =	vst.idx.msk $0xffff, v7;
	v10 =	vld [tilespmem:s9+$0xFFFFFF10]  }
0x1d3: {  	v7 =	vld [tilespmem:s9+$0xFFFFFF90];
	[tilespmem:v11+s25+$0x0] =	vst.idx.msk $0xffff, v4  }
0x1d4: {  	v11 =	vld [tilespmem:s9+$0x10];
	v4 =	vmul.f32 $8.000000000e+00, v5  }
0x1d5: {  	s12 =	simm.s32 $0x4;
	s13 =	simm.s32 $0x7;
	s11 =	simm.s32 $0x12700;
	v12 =	vadd.s32 v1, v15  }
0x1d6: {  	v14 =	vld [tilespmem:s11+$0x80];
	v13 =	vadd.s32 v1, v17;
	v5 =	vmov s12;
	[tilespmem:v6+s25+$0x0] =	vst.idx.msk $0xffff, v4;
	v6 =	vmov s13  }
0x1d7: {  	v16 =	vadd.s32 v1, v8;
	v4 =	vand.u32 $0x7C, v5;
	v5 =	vand.u32 $0x7F, v6;
	v18 =	vld [tilespmem:s9+$0xA0]  }
0x1d8: {  	s14 =	simm.s32 $0x5;
	v22 =	vadd.s32 v2, v9;
	v19 =	vld [tilespmem:s11+$0xFFFFFF00];
	v6 =	vmul.f32 $8.000000000e+00, v7;
	v20 =	vadd.s32 v0, v5  }
0x1d9: {  	s15 =	simm.s32 $0x6;
	v21 =	vld [tilespmem:s11+$0xFFFFFF80];
	v10 =	vmul.f32 $8.000000000e+00, v10;
	v7 =	vmul.f32 $8.000000000e+00, v11;
	v11 =	vmov s14  }
0x1da: {  	v23 =	vadd.s32 v0, v4;
	[tilespmem:v12+s25+$0x0] =	vst.idx.msk $0xffff, v6;
	v12 =	vmov s15;
	v6 =	vand.u32 $0x7D, v11;
	v11 =	vld [tilespmem:s11+$0x0]  }
0x1db: {  	[tilespmem:v13+s25+$0x0] =	vst.idx.msk $0xffff, v7;
	v13 =	vadd.s32 v0, v6;
	v7 =	vand.u32 $0x7E, v12;
	v12 =	vmul.f32 $8.000000000e+00, v14;
	v14 =	vld [tilespmem:s9+$0xFFFFFFA0]  }
0x1dc: {  	[tilespmem:v16+s25+$0x0] =	vst.idx.msk $0xffff, v10;
	v10 =	vadd.s32 v0, v7;
	v16 =	vld [tilespmem:s9+$0x20];
	v18 =	vmul.f32 $8.000000000e+00, v18  }
0x1dd: {  	v19 =	vmul.f32 $8.000000000e+00, v19;
	[tilespmem:v20+s25+$0x0] =	vst.idx.msk $0xffff, v12;
	v12 =	vld [tilespmem:s9+$0xFFFFFF20];
	v20 =	vadd.s32 v2, v15  }
0x1de: {  	v25 =	vadd.s32 v2, v17;
	v21 =	vmul.f32 $8.000000000e+00, v21;
	v24 =	vld [tilespmem:s11+$0x90];
	[tilespmem:v22+s25+$0x0] =	vst.idx.msk $0xffff, v18  }
0x1df: {  	[tilespmem:v23+s25+$0x0] =	vst.idx.msk $0xffff, v19;
	v19 =	vadd.s32 v2, v8;
	v11 =	vmul.f32 $8.000000000e+00, v11;
	v22 =	vld [tilespmem:s9+$0xB0]  }
0x1e0: {  	v23 =	vld [tilespmem:s11+$0xFFFFFF10];
	[tilespmem:v13+s25+$0x0] =	vst.idx.msk $0xffff, v21;
	v21 =	vadd.s32 v1, v5;
	v14 =	vmul.f32 $8.000000000e+00, v14  }
0x1e1: {  	v27 =	vadd.s32 v3, v9;
	v26 =	vld [tilespmem:s11+$0xFFFFFF90];
	[tilespmem:v10+s25+$0x0] =	vst.idx.msk $0xffff, v11;
	v10 =	vmul.f32 $8.000000000e+00, v16  }
0x1e2: {  	v18 =	vadd.s32 v1, v4;
	v13 =	vld [tilespmem:s11+$0x10];
	v9 =	vmul.f32 $8.000000000e+00, v12;
	[tilespmem:v20+s25+$0x0] =	vst.idx.msk $0xffff, v14  }
0x1e3: {  	s5 =	simm.s32 $0x8;
	v16 =	vadd.s32 v1, v6;
	[tilespmem:v25+s25+$0x0] =	vst.idx.msk $0xffff, v10;
	v14 =	vmul.f32 $8.000000000e+00, v24;
	v12 =	vld [tilespmem:s9+$0xFFFFFFB0]  }
0x1e4: {  	v20 =	vmov s5;
	v10 =	vadd.s32 v1, v7;
	v11 =	vld [tilespmem:s9+$0x30];
	[tilespmem:v19+s25+$0x0] =	vst.idx.msk $0xffff, v9;
	v63 =	vmul.f32 $8.000000000e+00, v22  }
0x1e5: {  	s26 =	simm.s32 $0xB;
	s13 =	simm.s32 $0x12900;
	v15 =	vadd.s32 v3, v15;
	v9 =	vand.u32 $0x7C, v20;
	v20 =	vmul.f32 $8.000000000e+00, v23;
	[tilespmem:v21+s25+$0x0] =	vst.idx.msk $0xffff, v14;
	v14 =	vld [tilespmem:s9+$0xFFFFFF30]  }
0x1e6: {  	v17 =	vadd.s32 v3, v17;
	v22 =	vmov s26;
	v19 =	vld [tilespmem:s13+$0x80];
	s9 =	simm.s32 $0xC;
	v21 =	vmul.f32 $8.000000000e+00, v26;
	[tilespmem:v27+s25+$0x0] =	vst.idx.msk $0xffff, v63  }
.LBB2_15:
0x1e7: {  	p1 =	slt.u32 s9, $0x7C;
	s12 =	sadd.s32 $0x1, s5;
	v22 =	vand.u32 $0x7F, v22;
	[tilespmem:v18+s25+$0x0] =	vst.idx.msk $0xffff, v20;
	v13 =	vmul.f32 $8.000000000e+00, v13;
	v18 =	vld [tilespmem:s11+$0xA0];
	v20 =	vadd.s32 v3, v8;
	v8 =	vmovc v4  }
0x1e8: {  	v4 =	vmovc v9;
	v23 =	vld [tilespmem:s13+$0xFFFFFF00];
	v24 =	vmov s12;
	s12 =	sadd.s32 $0x2, s5;
	v25 =	vadd.s32 v0, v22;
	[tilespmem:v16+s25+$0x0] =	vst.idx.msk $0xffff, v21;
	v12 =	vmul.f32 $8.000000000e+00, v12;
	s5 =	smov.u32 s9  }
0x1e9: {  	v9 =	vld [tilespmem:s13+$0xFFFFFF80];
	v16 =	vmov s12;
	[tilespmem:v10+s25+$0x0] =	vst.idx.msk $0xffff, v13;
	v10 =	vadd.s32 v2, v5;
	v11 =	vmul.f32 $8.000000000e+00, v11  }
0x1ea: {  	v13 =	vadd.s32 v0, v4;
	v21 =	vand.u32 $0x7D, v24;
	v24 =	vld [tilespmem:s13+$0x0];
	v14 =	vmul.f32 $8.000000000e+00, v14;
	[tilespmem:v15+s25+$0x0] =	vst.idx.msk $0xffff, v12  }
0x1eb: {  	v12 =	vadd.s32 v0, v21;
	v26 =	vand.u32 $0x7E, v16;
	v15 =	vmul.f32 $8.000000000e+00, v19;
	v16 =	vld [tilespmem:s11+$0xFFFFFFA0];
	[tilespmem:v17+s25+$0x0] =	vst.idx.msk $0xffff, v11  }
0x1ec: {  	v11 =	vadd.s32 v0, v26;
	v17 =	vld [tilespmem:s11+$0x20];
	v18 =	vmul.f32 $8.000000000e+00, v18;
	[tilespmem:v20+s25+$0x0] =	vst.idx.msk $0xffff, v14  }
0x1ed: {  	v19 =	vadd.s32 v2, v6;
	v14 =	vmul.f32 $8.000000000e+00, v23;
	[tilespmem:v25+s25+$0x0] =	vst.idx.msk $0xffff, v15;
	v15 =	vld [tilespmem:s11+$0xFFFFFF20]  }
0x1ee: {  	v23 =	vadd.s32 v2, v7;
	v9 =	vmul.f32 $8.000000000e+00, v9;
	v20 =	vld [tilespmem:s13+$0x90];
	[tilespmem:v10+s25+$0x0] =	vst.idx.msk $0xffff, v18  }
0x1ef: {  	[tilespmem:v13+s25+$0x0] =	vst.idx.msk $0xffff, v14;
	v10 =	vmul.f32 $8.000000000e+00, v24;
	v14 =	vadd.s32 v2, v8;
	v24 =	vld [tilespmem:s11+$0xB0]  }
0x1f0: {  	v27 =	vadd.s32 v1, v22;
	v25 =	vld [tilespmem:s13+$0xFFFFFF10];
	[tilespmem:v12+s25+$0x0] =	vst.idx.msk $0xffff, v9;
	v9 =	vmul.f32 $8.000000000e+00, v16  }
0x1f1: {  	v29 =	vadd.s32 v3, v5;
	v5 =	vmov v22;
	v28 =	vld [tilespmem:s13+$0xFFFFFF90];
	[tilespmem:v11+s25+$0x0] =	vst.idx.msk $0xffff, v10;
	v10 =	vmul.f32 $8.000000000e+00, v17  }
.Ltmp8:
0x1f2: {  	v18 =	vadd.s32 v1, v4;
	v13 =	vld [tilespmem:s13+$0x10];
	v11 =	vmul.f32 $8.000000000e+00, v15;
	[tilespmem:v19+s25+$0x0] =	vst.idx.msk $0xffff, v9;
	(pc) =	sbr.rel @p1 .LBB2_15-.Ltmp8, $4  }
0x1f3: {  	v16 =	vadd.s32 v1, v21;
	v15 =	vmul.f32 $8.000000000e+00, v20;
	v12 =	vld [tilespmem:s11+$0xFFFFFFB0];
	[tilespmem:v23+s25+$0x0] =	vst.idx.msk $0xffff, v10  }
0x1f4: {  	v9 =	vmov s9;
	v10 =	vadd.s32 v1, v26;
	[tilespmem:v14+s25+$0x0] =	vst.idx.msk $0xffff, v11;
	v11 =	vld [tilespmem:s11+$0x30];
	v23 =	vmul.f32 $8.000000000e+00, v24  }
0x1f5: {  	s12 =	sadd.s32 $0x3, s9;
	v9 =	vand.u32 $0x7C, v9;
	v20 =	vmul.f32 $8.000000000e+00, v25;
	[tilespmem:v27+s25+$0x0] =	vst.idx.msk $0xffff, v15;
	v14 =	vld [tilespmem:s11+$0xFFFFFF30];
	v15 =	vadd.s32 v3, v6;
	v6 =	vmovc v21;
	s11 =	smov.u32 s13;
	s13 =	sadd.s32 $0x200, s13  }
0x1f6: {  	v22 =	vmov s12;
	v17 =	vadd.s32 v3, v7;
	v7 =	vmovc v26;
	s9 =	sadd.s32 $0x4, s9;
	v19 =	vld [tilespmem:s13+$0x80];
	v21 =	vmul.f32 $8.000000000e+00, v28;
	[tilespmem:v29+s25+$0x0] =	vst.idx.msk $0xffff, v23  }
0x1f7: {  	s9 =	sadd.s32 $0x1, s5;
	v22 =	vand.u32 $0x7F, v22;
	v28 =	vld [tilespmem:s13+$0xFFFFFF00]  }
0x1f8: {  	s26 =	sadd.s32 $0x2, s5;
	v24 =	vld [tilespmem:s13+$0xFFFFFF80];
	v23 =	vmov s9;
	v25 =	vadd.s32 v0, v22  }
0x1f9: {  	v27 =	vld [tilespmem:s13+$0x0];
	v51 =	vadd.s32 v0, v9;
	v26 =	vmov s26;
	v23 =	vand.u32 $0x7D, v23  }
0x1fa: {  	v26 =	vand.u32 $0x7E, v26;
	v29 =	vadd.s32 v0, v23  }
0x1fb: {  	[tilespmem:v18+s25+$0x0] =	vst.idx.msk $0xffff, v20;
	v30 =	vadd.s32 v0, v26;
	v19 =	vmul.f32 $8.000000000e+00, v19  }
0x1fc: {  	[tilespmem:v16+s25+$0x0] =	vst.idx.msk $0xffff, v21;
	v54 =	vmul.f32 $8.000000000e+00, v28  }
0x1fd: {  	v52 =	vmul.f32 $8.000000000e+00, v24;
	[tilespmem:v25+s25+$0x0] =	vst.idx.msk $0xffff, v19  }
0x1fe: {  	v53 =	vmul.f32 $8.000000000e+00, v27;
	v55 =	vld [tilespmem:s13+$0x90];
	[tilespmem:v51+s25+$0x0] =	vst.idx.msk $0xffff, v54  }
0x1ff: {  	v13 =	vmul.f32 $8.000000000e+00, v13;
	v8 =	vadd.s32 v3, v8;
	[tilespmem:v29+s25+$0x0] =	vst.idx.msk $0xffff, v52;
	v59 =	vld [tilespmem:s13+$0xFFFFFF10]  }
0x200: {  	v12 =	vmul.f32 $8.000000000e+00, v12;
	v57 =	vadd.s32 v1, v22;
	[tilespmem:v30+s25+$0x0] =	vst.idx.msk $0xffff, v53;
	v56 =	vld [tilespmem:s13+$0xFFFFFF90]  }
0x201: {  	[tilespmem:v10+s25+$0x0] =	vst.idx.msk $0xffff, v13;
	v58 =	vmul.f32 $8.000000000e+00, v11;
	v28 =	vadd.s32 v1, v9;
	v19 =	vld [tilespmem:s13+$0x10]  }
0x202: {  	v61 =	vld [tilespmem:s11+$0xA0];
	v60 =	vadd.s32 v1, v23;
	v14 =	vmul.f32 $8.000000000e+00, v14;
	[tilespmem:v15+s25+$0x0] =	vst.idx.msk $0xffff, v12  }
0x203: {  	v32 =	vld [tilespmem:s11+$0xFFFFFF20];
	v62 =	vadd.s32 v1, v26;
	[tilespmem:v17+s25+$0x0] =	vst.idx.msk $0xffff, v58;
	v16 =	vmul.f32 $8.000000000e+00, v55  }
0x204: {  	[tilespmem:v8+s25+$0x0] =	vst.idx.msk $0xffff, v14;
	v29 =	vadd.s32 v2, v5;
	v30 =	vld [tilespmem:s11+$0x20];
	v11 =	vmul.f32 $8.000000000e+00, v59  }
0x205: {  	v38 =	vadd.s32 v2, v4;
	v63 =	vld [tilespmem:s11+$0xFFFFFFA0];
	v31 =	vmul.f32 $8.000000000e+00, v56;
	[tilespmem:v57+s25+$0x0] =	vst.idx.msk $0xffff, v16  }
0x206: {  	v35 =	vadd.s32 v2, v7;
	v34 =	vmul.f32 $8.000000000e+00, v19;
	v36 =	vld [tilespmem:s13+$0xA0];
	[tilespmem:v28+s25+$0x0] =	vst.idx.msk $0xffff, v11  }
0x207: {  	v33 =	vadd.s32 v2, v6;
	v37 =	vmul.f32 $8.000000000e+00, v61;
	[tilespmem:v60+s25+$0x0] =	vst.idx.msk $0xffff, v31;
	v43 =	vld [tilespmem:s13+$0xFFFFFF20]  }
0x208: {  	v40 =	vadd.s32 v2, v22;
	v14 =	vmul.f32 $8.000000000e+00, v32;
	[tilespmem:v62+s25+$0x0] =	vst.idx.msk $0xffff, v34;
	v39 =	vld [tilespmem:s13+$0xFFFFFFA0]  }
0x209: {  	v48 =	vadd.s32 v2, v9;
	[tilespmem:v29+s25+$0x0] =	vst.idx.msk $0xffff, v37;
	v42 =	vmul.f32 $8.000000000e+00, v30;
	v41 =	vld [tilespmem:s13+$0x20]  }
0x20a: {  	v44 =	vadd.s32 v2, v23;
	v15 =	vmul.f32 $8.000000000e+00, v63;
	[tilespmem:v38+s25+$0x0] =	vst.idx.msk $0xffff, v14;
	v45 =	vld [tilespmem:s11+$0xB0]  }
0x20b: {  	v46 =	vadd.s32 v2, v26;
	v14 =	vld [tilespmem:s11+$0xFFFFFF30];
	[tilespmem:v35+s25+$0x0] =	vst.idx.msk $0xffff, v42;
	v47 =	vmul.f32 $8.000000000e+00, v36  }
0x20c: {  	v5 =	vadd.s32 v3, v5;
	[tilespmem:v33+s25+$0x0] =	vst.idx.msk $0xffff, v15;
	v49 =	vld [tilespmem:s11+$0x30];
	v53 =	vmul.f32 $8.000000000e+00, v43  }
0x20d: {  	v4 =	vadd.s32 v3, v4;
	v21 =	vld [tilespmem:s11+$0xFFFFFFB0];
	v12 =	vmul.f32 $8.000000000e+00, v39;
	[tilespmem:v40+s25+$0x0] =	vst.idx.msk $0xffff, v47  }
0x20e: {  	v52 =	vadd.s32 v3, v7;
	v51 =	vmul.f32 $8.000000000e+00, v41;
	v10 =	vld [tilespmem:s13+$0xB0];
	[tilespmem:v48+s25+$0x0] =	vst.idx.msk $0xffff, v53  }
0x20f: {  	v50 =	vadd.s32 v3, v6;
	v54 =	vmul.f32 $8.000000000e+00, v45;
	[tilespmem:v44+s25+$0x0] =	vst.idx.msk $0xffff, v12;
	v59 =	vld [tilespmem:s13+$0xFFFFFF30]  }
0x210: {  	v57 =	vadd.s32 v3, v22;
	v14 =	vmul.f32 $8.000000000e+00, v14;
	[tilespmem:v46+s25+$0x0] =	vst.idx.msk $0xffff, v51;
	v55 =	vld [tilespmem:s13+$0xFFFFFFB0]  }
0x211: {  	v62 =	vadd.s32 v3, v9;
	[tilespmem:v5+s25+$0x0] =	vst.idx.msk $0xffff, v54;
	v5 =	vmul.f32 $8.000000000e+00, v49;
	v58 =	vld [tilespmem:s13+$0x30]  }
0x212: {  	v56 =	vmul.f32 $8.000000000e+00, v21;
	v60 =	vadd.s32 v3, v23;
	[tilespmem:v4+s25+$0x0] =	vst.idx.msk $0xffff, v14  }
0x213: {  	v61 =	vadd.s32 v3, v26;
	[tilespmem:v52+s25+$0x0] =	vst.idx.msk $0xffff, v5;
	v5 =	vmul.f32 $8.000000000e+00, v10  }
0x214: {  	[tilespmem:v50+s25+$0x0] =	vst.idx.msk $0xffff, v56;
	v63 =	vmul.f32 $8.000000000e+00, v59  }
0x215: {  	s1 =	sshll.u32 s1, $0x12;
	v4 =	vmul.f32 $8.000000000e+00, v55;
	[tilespmem:v57+s25+$0x0] =	vst.idx.msk $0xffff, v5  }
0x216: {  	s1 =	sor.u32 s6, s1;
	v5 =	vmul.f32 $8.000000000e+00, v58;
	[tilespmem:v62+s25+$0x0] =	vst.idx.msk $0xffff, v63  }
0x217: {  	s1 =	sshrl.u32 s1, $0x3;
	[tilespmem:v60+s25+$0x0] =	vst.idx.msk $0xffff, v4  }
0x218: {  	s9 =	simm.s32 $0x1CA00;
	s5 =	sadd.s32 s2, s1;
	[tilespmem:v61+s25+$0x0] =	vst.idx.msk $0xffff, v5  }
0x219: {  	[hbm4b:s5+s3] =	stream.linear.scatter [tilespmem:s9], [sflag:$0x8], $0x80, $0x38;
	[tilespmem:$0x1EC00] =	vst v63  }
0x21a: {  	s12 =	sadd.s32 $0x10, s5;
	s11 =	simm.s32 $0x1CA88  }
0x21b: {  	[hbm4b:s12+s3] =	stream.linear.scatter [tilespmem:s11], [sflag:$0x8], $0x80, $0x38;
	[tilespmem:$0x1EC00] =	vst v63  }
0x21c: {  	s15 =	simm.s32 $0x1CB98;
	s14 =	sadd.s32 $0x20, s5;
	s13 =	simm.s32 $0x1CB10  }
0x21d: {  	[hbm4b:s14+s3] =	stream.linear.scatter [tilespmem:s13], [sflag:$0x8], $0x80, $0x38;
	[tilespmem:$0x1EC00] =	vst v63  }
0x21e: {  	s1 =	simm.s32 $0x440;
	s26 =	sadd.s32 $0x30, s5;
	s9 =	simm.s32 $0x2200  }
0x21f: {  	[hbm4b:s26+s3] =	stream.linear.scatter [tilespmem:s15], [sflag:$0x8], $0x80, $0x38;
	[tilespmem:$0x1EC00] =	vst v63  }
0x220: {  	s11 =	simm.s32 $0x1CC20;
	s12 =	sadd.s32 $0x40, s5;
	s13 =	simm.s32 $0x1CCA8  }
0x221: {  	[hbm4b:s12+s3] =	stream.linear.scatter [tilespmem:s11], [sflag:$0x8], $0x80, $0x38;
	[tilespmem:$0x1EC00] =	vst v63  }
0x222: {  	s14 =	sadd.s32 $0x50, s5;
	s15 =	simm.s32 $0x1CD30;
	s26 =	sadd.s32 $0x60, s5  }
0x223: {  	[hbm4b:s14+s3] =	stream.linear.scatter [tilespmem:s13], [sflag:$0x8], $0x80, $0x38;
	[tilespmem:$0x1EC00] =	vst v63  }
0x224: {  	s11 =	simm.s32 $0x1CDB8;
	s13 =	sadd.s32 $0x70, s5;
	s5 =	sadd.s32 $0x1000, s5  }
0x225: {  	[hbm4b:s26+s3] =	stream.linear.scatter [tilespmem:s15], [sflag:$0x8], $0x80, $0x38;
	[tilespmem:$0x1EC00] =	vst v63  }
.LBB2_17:
0x226: {  	[hbm4b:s13+s3] =	stream.linear.scatter [tilespmem:s11], [sflag:$0x8], $0x80, $0x38;
	[tilespmem:$0x1EC00] =	vst v63  }
0x227: {  	s11 =	smov.u32 s1;
	s1 =	smov.u32 s9  }
0x228: {  	s12 =	sadd.s32 $0x1100, s9;
	s1 =	sshra.s32 s1, $0x2;
	s13 =	sadd.s32 $0x1CA00, s11  }
0x229: {  	[hbm4b:s5+s3] =	stream.linear.scatter [tilespmem:s13], [sflag:$0x8], $0x80, $0x38;
	[tilespmem:$0x1EC00] =	vst v63  }
0x22a: {  	p1 =	sne.s32 s9, $0x7700;
	s9 =	sadd.s32 $0x1CA88, s11;
	s13 =	sadd.s32 $0x10, s5  }
0x22b: {  	[hbm4b:s13+s3] =	stream.linear.scatter [tilespmem:s9], [sflag:$0x8], $0x80, $0x38;
	[tilespmem:$0x1EC00] =	vst v63  }
0x22c: {  	s9 =	sadd.s32 $0x1CB10, s11;
	s13 =	sadd.s32 $0x20, s5  }
0x22d: {  	[hbm4b:s13+s3] =	stream.linear.scatter [tilespmem:s9], [sflag:$0x8], $0x80, $0x38;
	[tilespmem:$0x1EC00] =	vst v63  }
0x22e: {  	s9 =	sadd.s32 $0x1CB98, s11;
	s13 =	sadd.s32 $0x30, s5  }
0x22f: {  	[hbm4b:s13+s3] =	stream.linear.scatter [tilespmem:s9], [sflag:$0x8], $0x80, $0x38;
	[tilespmem:$0x1EC00] =	vst v63  }
0x230: {  	s9 =	sadd.s32 $0x1CC20, s11;
	s13 =	sadd.s32 $0x40, s5  }
0x231: {  	[hbm4b:s13+s3] =	stream.linear.scatter [tilespmem:s9], [sflag:$0x8], $0x80, $0x38;
	[tilespmem:$0x1EC00] =	vst v63  }
.Ltmp9:
0x232: {  	s9 =	sadd.s32 $0x1CCA8, s11;
	s13 =	sadd.s32 $0x50, s5;
	(pc) =	sbr.rel @p1 .LBB2_17-.Ltmp9, $4  }
0x233: {  	[hbm4b:s13+s3] =	stream.linear.scatter [tilespmem:s9], [sflag:$0x8], $0x80, $0x38;
	[tilespmem:$0x1EC00] =	vst v63  }
0x234: {  	s9 =	sadd.s32 $0x1CD30, s11;
	s13 =	sadd.s32 $0x60, s5;
	s11 =	sadd.s32 $0x1CDB8, s11  }
0x235: {  	[hbm4b:s13+s3] =	stream.linear.scatter [tilespmem:s9], [sflag:$0x8], $0x80, $0x38;
	[tilespmem:$0x1EC00] =	vst v63  }
0x236: {  	s13 =	sadd.s32 $0x70, s5;
	s5 =	sadd.s32 $0x1000, s5;
	s9 =	smov.u32 s12  }
0x237: {  	[hbm4b:s13+s3] =	stream.linear.scatter [tilespmem:s11], [sflag:$0x8], $0x80, $0x38;
	[tilespmem:$0x1EC00] =	vst v63  }
0x238: {  	s9 =	sadd.s32 $0x1CA00, s1  }
0x239: {  	[hbm4b:s5+s3] =	stream.linear.scatter [tilespmem:s9], [sflag:$0x8], $0x80, $0x38;
	[tilespmem:$0x1EC00] =	vst v63  }
0x23a: {  	s15 =	sadd.s32 $0x1CA88, s1;
	s26 =	sadd.s32 $0x10, s5  }
0x23b: {  	[hbm4b:s26+s3] =	stream.linear.scatter [tilespmem:s15], [sflag:$0x8], $0x80, $0x38;
	[tilespmem:$0x1EC00] =	vst v63  }
0x23c: {  	s11 =	sadd.s32 $0x1CB10, s1;
	s12 =	sadd.s32 $0x20, s5  }
0x23d: {  	[hbm4b:s12+s3] =	stream.linear.scatter [tilespmem:s11], [sflag:$0x8], $0x80, $0x38;
	[tilespmem:$0x1EC00] =	vst v63  }
0x23e: {  	s13 =	sadd.s32 $0x1CB98, s1;
	s14 =	sadd.s32 $0x30, s5  }
0x23f: {  	[hbm4b:s14+s3] =	stream.linear.scatter [tilespmem:s13], [sflag:$0x8], $0x80, $0x38;
	[tilespmem:$0x1EC00] =	vst v63  }
0x240: {  	s15 =	sadd.s32 $0x1CC20, s1;
	s26 =	sadd.s32 $0x40, s5  }
0x241: {  	[hbm4b:s26+s3] =	stream.linear.scatter [tilespmem:s15], [sflag:$0x8], $0x80, $0x38;
	[tilespmem:$0x1EC00] =	vst v63  }
0x242: {  	s11 =	sadd.s32 $0x1CCA8, s1;
	s12 =	sadd.s32 $0x50, s5  }
0x243: {  	[hbm4b:s12+s3] =	stream.linear.scatter [tilespmem:s11], [sflag:$0x8], $0x80, $0x38;
	[tilespmem:$0x1EC00] =	vst v63  }
.Ltmp10:
0x244: {  	_ = 	snop;
	(pc) =	sbr.rel @p0 .LBB2_20-.Ltmp10, $4  }
0x245: {  	s13 =	sadd.s32 $0x1CD30, s1;
	s14 =	sadd.s32 $0x60, s5  }
0x246: {  	[hbm4b:s14+s3] =	stream.linear.scatter [tilespmem:s13], [sflag:$0x8], $0x80, $0x38;
	[tilespmem:$0x1EC00] =	vst v63  }
0x247: {  	s15 =	sadd.s32 $0x1CDB8, s1;
	s26 =	sadd.s32 $0x70, s5  }
0x248: {  	[hbm4b:s26+s3] =	stream.linear.scatter [tilespmem:s15], [sflag:$0x8], $0x80, $0x38;
	[tilespmem:$0x1EC00] =	vst v63  }
.Ltmp11:
0x249: {  	(pc) =	sbr.rel .LBB2_2-.Ltmp11, $4  }
0x24a: {  	_ =	swait.ge [sflag:s29], $0x2000;
	s1 =	sshll.u32 s0, $0x9  }
0x24b: {  	[sflag:s29] =	ssyncset.done $0x0;
	s1 =	sand.u32 $0x3FFFFE00, s1  }
0x24c: {  	s0 =	sadd.s32 $0x1, s0;
	[sflag:s29] =	ssyncadd.s32 $0xFFFFE000;
	s1 =	sadd.s32 $0x300, s1  }
0x24d: {  	[tilespmem:s16], [sflag:$0x3] =	stream.indirect.gather [hbm4b:s4+s10], $0x80, s1, s10, $0xb8;
	[tilespmem:$0x1EC00] =	vst v63  }
.LBB2_21:
0x24e: {  	_ =	sfence.sel $0x180000  }
0x24f: {  	[bflag:$0x0] =	sbarrier.arrive $0xFFFF  }
0x250: {  	_ =	strace $0x90000047  }
0x251: {  	s0 =	stileid.u32;
	[bflag:$0x2] =	sbarrier.arrive $0xFFFF  }
0x252: {  	p0 =	sne.s32 s0, $0x0;
	s0 =	rddreg [dreg:$0x2]  }
0x253: {  	s0 =	sadd.s32 @!p0 $0x100000, s0  }
0x254: {  	[sflag:s0] =	ssyncadd.tile.s32 @!p0 $0x1;
	_ =	shalt  }
.Lfunc_end2:
_tile_overlayer_lowered:
.L_overlay_start_2:
0x255: {  	(tag) =	ssettag $0x2  }
0x256: {  	s0 =	rddreg [dreg:$0x0];
	s2 =	stileid.u32  }
0x257: {  	s1 =	rddreg [dreg:$0x1];
	p0 =	sne.s32 s2, $0x0  }
0x258: {  	s3 =	rddreg [dreg:$0x2];
	[bflag:$0x3] =	sbarrier.arrive $0xFFFF;
	s2 =	simm.s32 @!p0 $0x1C09  }
0x259: {  	[timem:s3], [sflag:s2] =	dma.local @!p0 [hbm:s0], s1  }
0x25a: {  	s0 =	simm.s32 @!p0 $0x9  }
0x25b: {  	_ =	swait.ge @!p0 [sflag:s0], s1  }
0x25c: {  	s1 =	ssub.s32 @!p0 $0x0, s1;
	[sflag:s0] =	ssyncset.done @!p0 $0x0  }
0x25d: {  	[sflag:s0] =	ssyncadd.s32 @!p0 s1  }
0x25e: {  	[bflag:$0x3] =	sbarrier.arrive $0xFFFF  }
0x25f: {  	_ =	shalt  }

</sc_bundles>
